<compile_context>
chip_gen: v7x
topology: tpu7x:2x2x1
jax: 0.10.2.dev20260603
libtpu: 0.0.44.dev20260713+nightly
codegen_flags: <defaults>
</compile_context>

<pallas_src>
import functools

import jax
import jax.numpy as jnp
from jax import lax
from jax.experimental import pallas as pl
from jax.experimental.pallas import tpu as pltpu
from jax.experimental.pallas import tpu_sc as plsc

K = 16
TAU = 0.1
FOLD = 32


def _gmax_body(f_ref, o_ref):
    o_ref[0, ...] = jnp.max(f_ref[...], axis=0, keepdims=True)


def _main_body(qa_ref, ka_ref, sq_ref, w_ref, o_ref, *, nb, n, r_blk):
    b = pl.program_id(0)
    r = pl.program_id(1)

    @pl.when(jnp.logical_and(b == 0, r == 0))
    def _init():
        o_ref[...] = jnp.zeros_like(o_ref)

    d = jnp.dot(qa_ref[...], ka_ref[...], preferred_element_type=jnp.float32)
    dm = d.astype(jnp.bfloat16)

    w = nb // FOLD
    fm = dm[:, :w]
    for t in range(1, FOLD):
        fm = jnp.minimum(fm, dm[:, t * w:(t + 1) * w])

    inf = jnp.bfloat16(jnp.inf)
    for _ in range(K - 1):
        m = jnp.min(fm, axis=1, keepdims=True)
        fm = jnp.where(fm <= m, inf, fm)
    t_thr = jnp.min(fm, axis=1, keepdims=True)

    sel = jnp.where(dm <= t_thr, jnp.bfloat16(1), jnp.bfloat16(0))

    moms = jnp.dot(sel, w_ref[...], preferred_element_type=jnp.float32)
    si = sq_ref[...]
    cnt = moms[:, 0:1] - 1.0
    ssum = moms[:, 1:2] - si
    s2sum = moms[:, 2:3] - si * si
    loc_part = jnp.sum(
        (cnt * si * si - 2.0 * si * ssum + s2sum) * ((K - 1.0) / cnt))

    o_ref[...] += (loc_part / (n * K)).reshape(1, 1)


def _glob_sc(features, gmax2d, nb, c):
    n = features.shape[0]
    info = plsc.get_sparse_core_info()
    nw = info.num_cores * info.num_subcores
    rows_w = n // nw
    ch = 64
    nch = rows_w // ch
    ngr = c // 16
    mesh = plsc.VectorSubcoreMesh(core_axis_name="c", subcore_axis_name="s")

    @functools.partial(
        pl.kernel, mesh=mesh,
        out_type=jax.ShapeDtypeStruct((n, 16), jnp.float32),
        scratch_types=[
            pltpu.VMEM((ch, c), jnp.float32),
            pltpu.VMEM((ch, 16), jnp.float32),
            pltpu.VMEM((c,), jnp.float32),
        ],
    )
    def body(feat_hbm, g_hbm, out_hbm, fch, och, gv):
        wid = lax.axis_index("s") * info.num_cores + lax.axis_index("c")
        base = wid * rows_w
        cloud = base // nb
        pltpu.sync_copy(g_hbm.at[cloud], gv)
        for g in range(ngr):
            gv[pl.ds(g * 16, 16)] = gv[pl.ds(g * 16, 16)] * (1.0 / TAU)

        def one_row(r, sl):
            sig = jnp.zeros((16,), jnp.float32)
            for g in range(ngr):
                fv = fch[r, sl[g]]
                t = jnp.minimum(gv[sl[g]] - fv * (1.0 / TAU),
                                jnp.float32(80.0))
                sig = sig + 1.0 / (1.0 + jnp.exp(t))
            och[r, :] = sig * (2.0 / c)

        def chunk(ci, carry):
            pltpu.sync_copy(feat_hbm.at[pl.ds(base + ci * ch, ch)], fch)
            sl = [pl.ds(g * 16, 16) for g in range(ngr)]

            def row2(r2, carry2):
                one_row(r2 * 2, sl)
                one_row(r2 * 2 + 1, sl)
                return carry2

            lax.fori_loop(0, ch // 2, row2, 0)
            pltpu.sync_copy(och, out_hbm.at[pl.ds(base + ci * ch, ch)])
            return carry

        lax.fori_loop(0, nch, chunk, 0)

    return body(features, gmax2d)


def _gepi_body(t_ref, s_ref, o_ref, *, n):
    i = pl.program_id(0)

    @pl.when(i == 0)
    def _init():
        o_ref[...] = jnp.zeros_like(o_ref)

    t = jnp.sum(t_ref[...], axis=1, keepdims=True)
    e = s_ref[...] - t
    o_ref[...] += (jnp.sum(e * e) / n).reshape(1, 1)


def kernel(scores, coords, features, batch_ids, offset):
    n, c = features.shape
    b = offset.shape[0]
    nb = n // b
    r_blk = 256
    nblk = nb // r_blk

    gmax = pl.pallas_call(
        _gmax_body,
        grid=(b,),
        in_specs=[pl.BlockSpec((nb, c), lambda i: (i, 0))],
        out_specs=pl.BlockSpec((1, 1, c), lambda i: (i, 0, 0)),
        out_shape=jax.ShapeDtypeStruct((b, 1, c), jnp.float32),
    )(features)

    kn = jnp.sum(coords * coords, axis=1, keepdims=True)
    one = jnp.ones_like(kn)
    qa = jnp.concatenate([coords * -2.0, one, kn], axis=1)
    ka = jnp.concatenate([coords, kn, one], axis=1).T
    scores_col = scores.reshape(n, 1)
    w = jnp.stack(
        [jnp.ones_like(scores), scores, scores * scores, scores * 0.0],
        axis=1).astype(jnp.bfloat16)

    tpart = _glob_sc(features, gmax.reshape(b, c), nb, c)
    eblk = 2048
    glob = pl.pallas_call(
        functools.partial(_gepi_body, n=n),
        grid=(n // eblk,),
        in_specs=[
            pl.BlockSpec((eblk, 16), lambda i: (i, 0)),
            pl.BlockSpec((eblk, 1), lambda i: (i, 0)),
        ],
        out_specs=pl.BlockSpec((1, 1), lambda i: (0, 0)),
        out_shape=jax.ShapeDtypeStruct((1, 1), jnp.float32),
    )(tpart, scores.reshape(n, 1))

    loc = pl.pallas_call(
        functools.partial(_main_body, nb=nb, n=n, r_blk=r_blk),
        grid=(b, nblk),
        in_specs=[
            pl.BlockSpec((r_blk, 5), lambda i, j: (i * nblk + j, 0)),
            pl.BlockSpec((5, nb), lambda i, j: (0, i)),
            pl.BlockSpec((r_blk, 1), lambda i, j: (i * nblk + j, 0)),
            pl.BlockSpec((nb, 4), lambda i, j: (i, 0)),
        ],
        out_specs=pl.BlockSpec((1, 1), lambda i, j: (0, 0)),
        out_shape=jax.ShapeDtypeStruct((1, 1), jnp.float32),
    )(qa, ka, scores_col, w)

    return loc[0, 0] + glob[0, 0]

# --- scband reference (transcript-rebuilt; emitter-appended) ---
"""Pipeline reference for scband-ordering-loss-8237747273885 (READ-ONLY COPY).

The authoritative reference and input builder live on the scoring server;
editing this copy changes nothing except your own understanding.
"""

import jax, jax.numpy as jnp
import numpy as np

B = 4
NB = 8192
N = B * NB
K = 16
C = 256
TAU = 0.1
W_LOC = 1.0
W_GLOB = 1.0


def setup_inputs(seed: int = 0):
    key = jax.random.key(seed)
    k1, k2, k3 = jax.random.split(key, 3)
    scores = jax.random.uniform(k1, (N,), dtype=jnp.float32)
    coords = jax.random.normal(k2, (N, 3), dtype=jnp.float32)
    features = jax.random.normal(k3, (N, C), dtype=jnp.float32)
    batch_ids = jnp.repeat(jnp.arange(B, dtype=jnp.int32), NB)
    offset = (jnp.arange(1, B + 1, dtype=jnp.int32) * NB).astype(jnp.int32)
    return {"scores": scores, "coords": coords, "features": features,
            "batch_ids": batch_ids, "offset": offset}


def _knn_idx(coords):
    # brute-force exact kNN per cloud (replaces pointops.knn_query)
    idx_parts = []
    for b in range(B):
        cb = coords[b * NB:(b + 1) * NB]
        sq = jnp.sum(cb * cb, axis=1)
        d2 = sq[:, None] + sq[None, :] - 2.0 * (cb @ cb.T)
        _, idx_local = jax.lax.top_k(-d2, K)
        idx_parts.append(idx_local + b * NB)
    idx = jnp.concatenate(idx_parts, axis=0)
    return jnp.clip(idx, 0, N - 1)


def _forward(scores, coords, features, batch_ids):
    s = scores.reshape(-1)
    scores_1d = scores.reshape(-1, 1)
    # locality loss (w_loc = 1)
    idx = _knn_idx(coords)
    neighbor_scores = s[idx]  # gather [N, K]
    loss_loc = jnp.mean((s[:, None] - neighbor_scores) ** 2) * W_LOC
    # global feature loss (w_glob = 1)
    global_max = jax.ops.segment_max(features, batch_ids, num_segments=B)
    g = global_max[batch_ids]
    diff = (features - g) / TAU
    target = jnp.mean(2.0 * jax.nn.sigmoid(diff), axis=1, keepdims=True)
    loss_glob = jnp.mean((scores_1d - jax.lax.stop_gradient(target)) ** 2) * W_GLOB
    return loss_loc + loss_glob


def reference(scores, coords, features, batch_ids, offset):
    # offset is implied by the fixed per-cloud size NB (static in jax)
    return _forward(scores, coords, features, batch_ids)

if __name__ == "__main__":
    import jax
    _d = setup_inputs()
    print(jax.jit(kernel)(*tuple(_d.values())))

</pallas_src>

<mosaic_0001>
#map = affine_map<(d0, d1) -> (0, 0)>
module attributes {stable_mosaic.version = 14 : i64} {
  func.func @body(%arg0: i32, %arg1: i32, %arg2: memref<32768x256xf32, #tpu.memory_space<hbm>>, %arg3: memref<4x256xf32, #tpu.memory_space<hbm>>, %arg4: memref<32768x16xf32, #tpu.memory_space<hbm>>, %arg5: memref<64x256xf32, #tpu.memory_space<vmem>>, %arg6: memref<64x16xf32, #tpu.memory_space<vmem>>, %arg7: memref<256xf32, #tpu.memory_space<vmem>>) attributes {dimension_semantics = [#tpu.dimension_semantics<core_parallel>, #tpu.dimension_semantics<subcore_parallel>], iteration_bounds = array<i64: 2, 16>, scalar_prefetch = 0 : i64, scratch_operands = 3 : i64, tpu.core_type = #tpu.core_type<sc_vector_subcore>, window_params = [{transform_indices = #map}, {transform_indices = #map}, {transform_indices = #map}]} {
    %mul3A = arith.constant 2 : i32
    %mul3A_0 = arith.muli %arg1, %mul3A : i32
    %add3A = arith.addi %mul3A_0, %arg0 : i32
    %mul3A_1 = arith.constant 1024 : i32
    %mul3A_2 = arith.muli %add3A, %mul3A_1 : i32
    %jit3A = arith.constant 8192 : i32
    %div3A = arith.divsi %mul3A_2, %jit3A : i32
    %sign3A = arith.constant 0 : i32
    %sign3A_3 = arith.cmpi sgt, %mul3A_2, %sign3A : i32
    %sign3A_4 = arith.extui %sign3A_3 : i1 to i32
    %sign3A_5 = arith.constant 0 : i32
    %sign3A_6 = arith.cmpi slt, %mul3A_2, %sign3A_5 : i32
    %sign3A_7 = arith.extui %sign3A_6 : i1 to i32
    %sign3A_8 = arith.subi %sign3A_4, %sign3A_7 : i32
    %sign3A_9 = arith.constant 0 : i32
    %sign3A_10 = arith.cmpi sgt, %jit3A, %sign3A_9 : i32
    %sign3A_11 = arith.extui %sign3A_10 : i1 to i32
    %sign3A_12 = arith.constant 0 : i32
    %sign3A_13 = arith.cmpi slt, %jit3A, %sign3A_12 : i32
    %sign3A_14 = arith.extui %sign3A_13 : i1 to i32
    %sign3A_15 = arith.subi %sign3A_11, %sign3A_14 : i32
    %ne3A = arith.cmpi ne, %sign3A_8, %sign3A_15 : i32
    %rem3A = arith.remsi %mul3A_2, %jit3A : i32
    %ne3A_16 = arith.constant 0 : i32
    %ne3A_17 = arith.cmpi ne, %rem3A, %ne3A_16 : i32
    %and3A = arith.andi %ne3A, %ne3A_17 : i1
    %sub3A = arith.constant 1 : i32
    %sub3A_18 = arith.subi %div3A, %sub3A : i32
    %select_n3A = arith.select %and3A, %sub3A_18, %div3A : i32
    "tpu.region"() ({
      %run_scoped3A = tpu.sem_alloc : memref<!tpu.dma_semaphore, #tpu.memory_space<semaphore_mem>>
      %dma_start3A = arith.constant 0 : i32
      %dma_start3A_182 = tpu.memref_slice %arg3[%select_n3A, %dma_start3A] : memref<4x256xf32, #tpu.memory_space<hbm>> -> memref<1x256xf32, #tpu.memory_space<hbm>>
      %dma_start3A_183 = tpu.memref_squeeze %dma_start3A_182 : memref<1x256xf32, #tpu.memory_space<hbm>> -> memref<256xf32, #tpu.memory_space<hbm>>
      %dma_start3A_184 = arith.constant 0 : i32
      %dma_start3A_185 = tpu.memref_slice %arg3[%select_n3A, %dma_start3A_184] : memref<4x256xf32, #tpu.memory_space<hbm>> -> memref<1x256xf32, #tpu.memory_space<hbm>>
      %dma_start3A_186 = tpu.memref_squeeze %dma_start3A_185 : memref<1x256xf32, #tpu.memory_space<hbm>> -> memref<256xf32, #tpu.memory_space<hbm>>
      tpu.enqueue_dma source(%dma_start3A_186 : memref<256xf32, #tpu.memory_space<hbm>>) target(%arg7 : memref<256xf32, #tpu.memory_space<vmem>>) target_semaphore(%run_scoped3A : memref<!tpu.dma_semaphore, #tpu.memory_space<semaphore_mem>>)
      %dma_wait3A = arith.constant 0 : i32
      %dma_wait3A_187 = tpu.memref_slice %arg3[%select_n3A, %dma_wait3A] : memref<4x256xf32, #tpu.memory_space<hbm>> -> memref<1x256xf32, #tpu.memory_space<hbm>>
      %dma_wait3A_188 = tpu.memref_squeeze %dma_wait3A_187 : memref<1x256xf32, #tpu.memory_space<hbm>> -> memref<256xf32, #tpu.memory_space<hbm>>
      %dma_wait3A_189 = arith.constant 0 : i32
      %dma_wait3A_190 = tpu.memref_slice %arg3[%select_n3A, %dma_wait3A_189] : memref<4x256xf32, #tpu.memory_space<hbm>> -> memref<1x256xf32, #tpu.memory_space<hbm>>
      %dma_wait3A_191 = tpu.memref_squeeze %dma_wait3A_190 : memref<1x256xf32, #tpu.memory_space<hbm>> -> memref<256xf32, #tpu.memory_space<hbm>>
      tpu.wait_dma2 semaphore(%run_scoped3A : memref<!tpu.dma_semaphore, #tpu.memory_space<semaphore_mem>>) src(%dma_wait3A_191 : memref<256xf32, #tpu.memory_space<hbm>>) dst(%arg7 : memref<256xf32, #tpu.memory_space<vmem>>)
      tpu.yield
    }) : () -> ()
    %get3A = arith.constant 0 : index
    %get3A_19 = tpu.vector_load %arg7[%get3A] {strides = array<i32>} : memref<256xf32, #tpu.memory_space<vmem>>, vector<16xf32>,
    %get3A_20 = vector.shape_cast %get3A_19 : vector<16xf32> to vector<16xf32>
    %mul3A_21 = arith.constant 1.000000e+01 : f32
    %mul3A_22 = vector.broadcast %mul3A_21 : f32 to vector<16xf32>
    %mul3A_23 = arith.mulf %get3A_20, %mul3A_22 : vector<16xf32>
    %swap3A = arith.constant 0 : index
    %swap3A_24 = tpu.vector_load %arg7[%swap3A] {strides = array<i32>} : memref<256xf32, #tpu.memory_space<vmem>>, vector<16xf32>,
    %swap3A_25 = vector.shape_cast %swap3A_24 : vector<16xf32> to vector<16xf32>
    %swap3A_26 = vector.shape_cast %mul3A_23 : vector<16xf32> to vector<16xf32>
    tpu.vector_store %arg7[%swap3A], %swap3A_26 {strides = array<i32>} : memref<256xf32, #tpu.memory_space<vmem>>, vector<16xf32>,
    %get3A_27 = arith.constant 16 : index
    %get3A_28 = tpu.vector_load %arg7[%get3A_27] {strides = array<i32>} : memref<256xf32, #tpu.memory_space<vmem>>, vector<16xf32>,
    %get3A_29 = vector.shape_cast %get3A_28 : vector<16xf32> to vector<16xf32>
    %mul3A_30 = arith.constant 1.000000e+01 : f32
    %mul3A_31 = vector.broadcast %mul3A_30 : f32 to vector<16xf32>
    %mul3A_32 = arith.mulf %get3A_29, %mul3A_31 : vector<16xf32>
    %swap3A_33 = arith.constant 16 : index
    %swap3A_34 = tpu.vector_load %arg7[%swap3A_33] {strides = array<i32>} : memref<256xf32, #tpu.memory_space<vmem>>, vector<16xf32>,
    %swap3A_35 = vector.shape_cast %swap3A_34 : vector<16xf32> to vector<16xf32>
    %swap3A_36 = vector.shape_cast %mul3A_32 : vector<16xf32> to vector<16xf32>
    tpu.vector_store %arg7[%swap3A_33], %swap3A_36 {strides = array<i32>} : memref<256xf32, #tpu.memory_space<vmem>>, vector<16xf32>,
    %get3A_37 = arith.constant 32 : index
    %get3A_38 = tpu.vector_load %arg7[%get3A_37] {strides = array<i32>} : memref<256xf32, #tpu.memory_space<vmem>>, vector<16xf32>,
    %get3A_39 = vector.shape_cast %get3A_38 : vector<16xf32> to vector<16xf32>
    %mul3A_40 = arith.constant 1.000000e+01 : f32
    %mul3A_41 = vector.broadcast %mul3A_40 : f32 to vector<16xf32>
    %mul3A_42 = arith.mulf %get3A_39, %mul3A_41 : vector<16xf32>
    %swap3A_43 = arith.constant 32 : index
    %swap3A_44 = tpu.vector_load %arg7[%swap3A_43] {strides = array<i32>} : memref<256xf32, #tpu.memory_space<vmem>>, vector<16xf32>,
    %swap3A_45 = vector.shape_cast %swap3A_44 : vector<16xf32> to vector<16xf32>
    %swap3A_46 = vector.shape_cast %mul3A_42 : vector<16xf32> to vector<16xf32>
    tpu.vector_store %arg7[%swap3A_43], %swap3A_46 {strides = array<i32>} : memref<256xf32, #tpu.memory_space<vmem>>, vector<16xf32>,
    %get3A_47 = arith.constant 48 : index
    %get3A_48 = tpu.vector_load %arg7[%get3A_47] {strides = array<i32>} : memref<256xf32, #tpu.memory_space<vmem>>, vector<16xf32>,
    %get3A_49 = vector.shape_cast %get3A_48 : vector<16xf32> to vector<16xf32>
    %mul3A_50 = arith.constant 1.000000e+01 : f32
    %mul3A_51 = vector.broadcast %mul3A_50 : f32 to vector<16xf32>
    %mul3A_52 = arith.mulf %get3A_49, %mul3A_51 : vector<16xf32>
    %swap3A_53 = arith.constant 48 : index
    %swap3A_54 = tpu.vector_load %arg7[%swap3A_53] {strides = array<i32>} : memref<256xf32, #tpu.memory_space<vmem>>, vector<16xf32>,
    %swap3A_55 = vector.shape_cast %swap3A_54 : vector<16xf32> to vector<16xf32>
    %swap3A_56 = vector.shape_cast %mul3A_52 : vector<16xf32> to vector<16xf32>
    tpu.vector_store %arg7[%swap3A_53], %swap3A_56 {strides = array<i32>} : memref<256xf32, #tpu.memory_space<vmem>>, vector<16xf32>,
    %get3A_57 = arith.constant 64 : index
    %get3A_58 = tpu.vector_load %arg7[%get3A_57] {strides = array<i32>} : memref<256xf32, #tpu.memory_space<vmem>>, vector<16xf32>,
    %get3A_59 = vector.shape_cast %get3A_58 : vector<16xf32> to vector<16xf32>
    %mul3A_60 = arith.constant 1.000000e+01 : f32
    %mul3A_61 = vector.broadcast %mul3A_60 : f32 to vector<16xf32>
    %mul3A_62 = arith.mulf %get3A_59, %mul3A_61 : vector<16xf32>
    %swap3A_63 = arith.constant 64 : index
    %swap3A_64 = tpu.vector_load %arg7[%swap3A_63] {strides = array<i32>} : memref<256xf32, #tpu.memory_space<vmem>>, vector<16xf32>,
    %swap3A_65 = vector.shape_cast %swap3A_64 : vector<16xf32> to vector<16xf32>
    %swap3A_66 = vector.shape_cast %mul3A_62 : vector<16xf32> to vector<16xf32>
    tpu.vector_store %arg7[%swap3A_63], %swap3A_66 {strides = array<i32>} : memref<256xf32, #tpu.memory_space<vmem>>, vector<16xf32>,
    %get3A_67 = arith.constant 80 : index
    %get3A_68 = tpu.vector_load %arg7[%get3A_67] {strides = array<i32>} : memref<256xf32, #tpu.memory_space<vmem>>, vector<16xf32>,
    %get3A_69 = vector.shape_cast %get3A_68 : vector<16xf32> to vector<16xf32>
    %mul3A_70 = arith.constant 1.000000e+01 : f32
    %mul3A_71 = vector.broadcast %mul3A_70 : f32 to vector<16xf32>
    %mul3A_72 = arith.mulf %get3A_69, %mul3A_71 : vector<16xf32>
    %swap3A_73 = arith.constant 80 : index
    %swap3A_74 = tpu.vector_load %arg7[%swap3A_73] {strides = array<i32>} : memref<256xf32, #tpu.memory_space<vmem>>, vector<16xf32>,
    %swap3A_75 = vector.shape_cast %swap3A_74 : vector<16xf32> to vector<16xf32>
    %swap3A_76 = vector.shape_cast %mul3A_72 : vector<16xf32> to vector<16xf32>
    tpu.vector_store %arg7[%swap3A_73], %swap3A_76 {strides = array<i32>} : memref<256xf32, #tpu.memory_space<vmem>>, vector<16xf32>,
    %get3A_77 = arith.constant 96 : index
    %get3A_78 = tpu.vector_load %arg7[%get3A_77] {strides = array<i32>} : memref<256xf32, #tpu.memory_space<vmem>>, vector<16xf32>,
    %get3A_79 = vector.shape_cast %get3A_78 : vector<16xf32> to vector<16xf32>
    %mul3A_80 = arith.constant 1.000000e+01 : f32
    %mul3A_81 = vector.broadcast %mul3A_80 : f32 to vector<16xf32>
    %mul3A_82 = arith.mulf %get3A_79, %mul3A_81 : vector<16xf32>
    %swap3A_83 = arith.constant 96 : index
    %swap3A_84 = tpu.vector_load %arg7[%swap3A_83] {strides = array<i32>} : memref<256xf32, #tpu.memory_space<vmem>>, vector<16xf32>,
    %swap3A_85 = vector.shape_cast %swap3A_84 : vector<16xf32> to vector<16xf32>
    %swap3A_86 = vector.shape_cast %mul3A_82 : vector<16xf32> to vector<16xf32>
    tpu.vector_store %arg7[%swap3A_83], %swap3A_86 {strides = array<i32>} : memref<256xf32, #tpu.memory_space<vmem>>, vector<16xf32>,
    %get3A_87 = arith.constant 112 : index
    %get3A_88 = tpu.vector_load %arg7[%get3A_87] {strides = array<i32>} : memref<256xf32, #tpu.memory_space<vmem>>, vector<16xf32>,
    %get3A_89 = vector.shape_cast %get3A_88 : vector<16xf32> to vector<16xf32>
    %mul3A_90 = arith.constant 1.000000e+01 : f32
    %mul3A_91 = vector.broadcast %mul3A_90 : f32 to vector<16xf32>
    %mul3A_92 = arith.mulf %get3A_89, %mul3A_91 : vector<16xf32>
    %swap3A_93 = arith.constant 112 : index
    %swap3A_94 = tpu.vector_load %arg7[%swap3A_93] {strides = array<i32>} : memref<256xf32, #tpu.memory_space<vmem>>, vector<16xf32>,
    %swap3A_95 = vector.shape_cast %swap3A_94 : vector<16xf32> to vector<16xf32>
    %swap3A_96 = vector.shape_cast %mul3A_92 : vector<16xf32> to vector<16xf32>
    tpu.vector_store %arg7[%swap3A_93], %swap3A_96 {strides = array<i32>} : memref<256xf32, #tpu.memory_space<vmem>>, vector<16xf32>,
    %get3A_97 = arith.constant 128 : index
    %get3A_98 = tpu.vector_load %arg7[%get3A_97] {strides = array<i32>} : memref<256xf32, #tpu.memory_space<vmem>>, vector<16xf32>,
    %get3A_99 = vector.shape_cast %get3A_98 : vector<16xf32> to vector<16xf32>
    %mul3A_100 = arith.constant 1.000000e+01 : f32
    %mul3A_101 = vector.broadcast %mul3A_100 : f32 to vector<16xf32>
    %mul3A_102 = arith.mulf %get3A_99, %mul3A_101 : vector<16xf32>
    %swap3A_103 = arith.constant 128 : index
    %swap3A_104 = tpu.vector_load %arg7[%swap3A_103] {strides = array<i32>} : memref<256xf32, #tpu.memory_space<vmem>>, vector<16xf32>,
    %swap3A_105 = vector.shape_cast %swap3A_104 : vector<16xf32> to vector<16xf32>
    %swap3A_106 = vector.shape_cast %mul3A_102 : vector<16xf32> to vector<16xf32>
    tpu.vector_store %arg7[%swap3A_103], %swap3A_106 {strides = array<i32>} : memref<256xf32, #tpu.memory_space<vmem>>, vector<16xf32>,
    %get3A_107 = arith.constant 144 : index
    %get3A_108 = tpu.vector_load %arg7[%get3A_107] {strides = array<i32>} : memref<256xf32, #tpu.memory_space<vmem>>, vector<16xf32>,
    %get3A_109 = vector.shape_cast %get3A_108 : vector<16xf32> to vector<16xf32>
    %mul3A_110 = arith.constant 1.000000e+01 : f32
    %mul3A_111 = vector.broadcast %mul3A_110 : f32 to vector<16xf32>
    %mul3A_112 = arith.mulf %get3A_109, %mul3A_111 : vector<16xf32>
    %swap3A_113 = arith.constant 144 : index
    %swap3A_114 = tpu.vector_load %arg7[%swap3A_113] {strides = array<i32>} : memref<256xf32, #tpu.memory_space<vmem>>, vector<16xf32>,
    %swap3A_115 = vector.shape_cast %swap3A_114 : vector<16xf32> to vector<16xf32>
    %swap3A_116 = vector.shape_cast %mul3A_112 : vector<16xf32> to vector<16xf32>
    tpu.vector_store %arg7[%swap3A_113], %swap3A_116 {strides = array<i32>} : memref<256xf32, #tpu.memory_space<vmem>>, vector<16xf32>,
    %get3A_117 = arith.constant 160 : index
    %get3A_118 = tpu.vector_load %arg7[%get3A_117] {strides = array<i32>} : memref<256xf32, #tpu.memory_space<vmem>>, vector<16xf32>,
    %get3A_119 = vector.shape_cast %get3A_118 : vector<16xf32> to vector<16xf32>
    %mul3A_120 = arith.constant 1.000000e+01 : f32
    %mul3A_121 = vector.broadcast %mul3A_120 : f32 to vector<16xf32>
    %mul3A_122 = arith.mulf %get3A_119, %mul3A_121 : vector<16xf32>
    %swap3A_123 = arith.constant 160 : index
    %swap3A_124 = tpu.vector_load %arg7[%swap3A_123] {strides = array<i32>} : memref<256xf32, #tpu.memory_space<vmem>>, vector<16xf32>,
    %swap3A_125 = vector.shape_cast %swap3A_124 : vector<16xf32> to vector<16xf32>
    %swap3A_126 = vector.shape_cast %mul3A_122 : vector<16xf32> to vector<16xf32>
    tpu.vector_store %arg7[%swap3A_123], %swap3A_126 {strides = array<i32>} : memref<256xf32, #tpu.memory_space<vmem>>, vector<16xf32>,
    %get3A_127 = arith.constant 176 : index
    %get3A_128 = tpu.vector_load %arg7[%get3A_127] {strides = array<i32>} : memref<256xf32, #tpu.memory_space<vmem>>, vector<16xf32>,
    %get3A_129 = vector.shape_cast %get3A_128 : vector<16xf32> to vector<16xf32>
    %mul3A_130 = arith.constant 1.000000e+01 : f32
    %mul3A_131 = vector.broadcast %mul3A_130 : f32 to vector<16xf32>
    %mul3A_132 = arith.mulf %get3A_129, %mul3A_131 : vector<16xf32>
    %swap3A_133 = arith.constant 176 : index
    %swap3A_134 = tpu.vector_load %arg7[%swap3A_133] {strides = array<i32>} : memref<256xf32, #tpu.memory_space<vmem>>, vector<16xf32>,
    %swap3A_135 = vector.shape_cast %swap3A_134 : vector<16xf32> to vector<16xf32>
    %swap3A_136 = vector.shape_cast %mul3A_132 : vector<16xf32> to vector<16xf32>
    tpu.vector_store %arg7[%swap3A_133], %swap3A_136 {strides = array<i32>} : memref<256xf32, #tpu.memory_space<vmem>>, vector<16xf32>,
    %get3A_137 = arith.constant 192 : index
    %get3A_138 = tpu.vector_load %arg7[%get3A_137] {strides = array<i32>} : memref<256xf32, #tpu.memory_space<vmem>>, vector<16xf32>,
    %get3A_139 = vector.shape_cast %get3A_138 : vector<16xf32> to vector<16xf32>
    %mul3A_140 = arith.constant 1.000000e+01 : f32
    %mul3A_141 = vector.broadcast %mul3A_140 : f32 to vector<16xf32>
    %mul3A_142 = arith.mulf %get3A_139, %mul3A_141 : vector<16xf32>
    %swap3A_143 = arith.constant 192 : index
    %swap3A_144 = tpu.vector_load %arg7[%swap3A_143] {strides = array<i32>} : memref<256xf32, #tpu.memory_space<vmem>>, vector<16xf32>,
    %swap3A_145 = vector.shape_cast %swap3A_144 : vector<16xf32> to vector<16xf32>
    %swap3A_146 = vector.shape_cast %mul3A_142 : vector<16xf32> to vector<16xf32>
    tpu.vector_store %arg7[%swap3A_143], %swap3A_146 {strides = array<i32>} : memref<256xf32, #tpu.memory_space<vmem>>, vector<16xf32>,
    %get3A_147 = arith.constant 208 : index
    %get3A_148 = tpu.vector_load %arg7[%get3A_147] {strides = array<i32>} : memref<256xf32, #tpu.memory_space<vmem>>, vector<16xf32>,
    %get3A_149 = vector.shape_cast %get3A_148 : vector<16xf32> to vector<16xf32>
    %mul3A_150 = arith.constant 1.000000e+01 : f32
    %mul3A_151 = vector.broadcast %mul3A_150 : f32 to vector<16xf32>
    %mul3A_152 = arith.mulf %get3A_149, %mul3A_151 : vector<16xf32>
    %swap3A_153 = arith.constant 208 : index
    %swap3A_154 = tpu.vector_load %arg7[%swap3A_153] {strides = array<i32>} : memref<256xf32, #tpu.memory_space<vmem>>, vector<16xf32>,
    %swap3A_155 = vector.shape_cast %swap3A_154 : vector<16xf32> to vector<16xf32>
    %swap3A_156 = vector.shape_cast %mul3A_152 : vector<16xf32> to vector<16xf32>
    tpu.vector_store %arg7[%swap3A_153], %swap3A_156 {strides = array<i32>} : memref<256xf32, #tpu.memory_space<vmem>>, vector<16xf32>,
    %get3A_157 = arith.constant 224 : index
    %get3A_158 = tpu.vector_load %arg7[%get3A_157] {strides = array<i32>} : memref<256xf32, #tpu.memory_space<vmem>>, vector<16xf32>,
    %get3A_159 = vector.shape_cast %get3A_158 : vector<16xf32> to vector<16xf32>
    %mul3A_160 = arith.constant 1.000000e+01 : f32
    %mul3A_161 = vector.broadcast %mul3A_160 : f32 to vector<16xf32>
    %mul3A_162 = arith.mulf %get3A_159, %mul3A_161 : vector<16xf32>
    %swap3A_163 = arith.constant 224 : index
    %swap3A_164 = tpu.vector_load %arg7[%swap3A_163] {strides = array<i32>} : memref<256xf32, #tpu.memory_space<vmem>>, vector<16xf32>,
    %swap3A_165 = vector.shape_cast %swap3A_164 : vector<16xf32> to vector<16xf32>
    %swap3A_166 = vector.shape_cast %mul3A_162 : vector<16xf32> to vector<16xf32>
    tpu.vector_store %arg7[%swap3A_163], %swap3A_166 {strides = array<i32>} : memref<256xf32, #tpu.memory_space<vmem>>, vector<16xf32>,
    %get3A_167 = arith.constant 240 : index
    %get3A_168 = tpu.vector_load %arg7[%get3A_167] {strides = array<i32>} : memref<256xf32, #tpu.memory_space<vmem>>, vector<16xf32>,
    %get3A_169 = vector.shape_cast %get3A_168 : vector<16xf32> to vector<16xf32>
    %mul3A_170 = arith.constant 1.000000e+01 : f32
    %mul3A_171 = vector.broadcast %mul3A_170 : f32 to vector<16xf32>
    %mul3A_172 = arith.mulf %get3A_169, %mul3A_171 : vector<16xf32>
    %swap3A_173 = arith.constant 240 : index
    %swap3A_174 = tpu.vector_load %arg7[%swap3A_173] {strides = array<i32>} : memref<256xf32, #tpu.memory_space<vmem>>, vector<16xf32>,
    %swap3A_175 = vector.shape_cast %swap3A_174 : vector<16xf32> to vector<16xf32>
    %swap3A_176 = vector.shape_cast %mul3A_172 : vector<16xf32> to vector<16xf32>
    tpu.vector_store %arg7[%swap3A_173], %swap3A_176 {strides = array<i32>} : memref<256xf32, #tpu.memory_space<vmem>>, vector<16xf32>,
    %scan3A = arith.constant 0 : i32
    %scan3A_177 = arith.constant 0 : i32
    %scan3A_178 = arith.constant 16 : i32
    %scan3A_179 = arith.addi %scan3A_177, %scan3A_178 : i32
    %scan3A_180 = arith.constant 1 : i32
    scf.for %scan3A_182 = %scan3A_177 to %scan3A_179 step %scan3A_180  : i32 {
      %mul3A_183 = arith.constant 64 : i32
      %mul3A_184 = arith.muli %scan3A_182, %mul3A_183 : i32
      %add3A_185 = arith.addi %mul3A_2, %mul3A_184 : i32
      "tpu.region"() ({
        %run_scoped3A = tpu.sem_alloc : memref<!tpu.dma_semaphore, #tpu.memory_space<semaphore_mem>>
        %dma_start3A = arith.constant 0 : i32
        %dma_start3A_195 = tpu.memref_slice %arg2[%add3A_185, %dma_start3A] : memref<32768x256xf32, #tpu.memory_space<hbm>> -> memref<64x256xf32, #tpu.memory_space<hbm>>
        %dma_start3A_196 = arith.constant 0 : i32
        %dma_start3A_197 = tpu.memref_slice %arg2[%add3A_185, %dma_start3A_196] : memref<32768x256xf32, #tpu.memory_space<hbm>> -> memref<64x256xf32, #tpu.memory_space<hbm>>
        tpu.enqueue_dma source(%dma_start3A_197 : memref<64x256xf32, #tpu.memory_space<hbm>>) target(%arg5 : memref<64x256xf32, #tpu.memory_space<vmem>>) target_semaphore(%run_scoped3A : memref<!tpu.dma_semaphore, #tpu.memory_space<semaphore_mem>>)
        %dma_wait3A = arith.constant 0 : i32
        %dma_wait3A_198 = tpu.memref_slice %arg2[%add3A_185, %dma_wait3A] : memref<32768x256xf32, #tpu.memory_space<hbm>> -> memref<64x256xf32, #tpu.memory_space<hbm>>
        %dma_wait3A_199 = arith.constant 0 : i32
        %dma_wait3A_200 = tpu.memref_slice %arg2[%add3A_185, %dma_wait3A_199] : memref<32768x256xf32, #tpu.memory_space<hbm>> -> memref<64x256xf32, #tpu.memory_space<hbm>>
        tpu.wait_dma2 semaphore(%run_scoped3A : memref<!tpu.dma_semaphore, #tpu.memory_space<semaphore_mem>>) src(%dma_wait3A_200 : memref<64x256xf32, #tpu.memory_space<hbm>>) dst(%arg5 : memref<64x256xf32, #tpu.memory_space<vmem>>)
        tpu.yield
      }) : () -> ()
      %scan3A_186 = arith.constant 0 : i32
      %scan3A_187 = arith.constant 0 : i32
      %scan3A_188 = arith.constant 32 : i32
      %scan3A_189 = arith.addi %scan3A_187, %scan3A_188 : i32
      %scan3A_190 = arith.constant 1 : i32
      scf.for %scan3A_195 = %scan3A_187 to %scan3A_189 step %scan3A_190  : i32 {
        %mul3A_196 = arith.constant 2 : i32
        %mul3A_197 = arith.muli %scan3A_195, %mul3A_196 : i32
        %broadcast_in_dim3A = arith.constant 0.000000e+00 : f32
        %broadcast_in_dim3A_198 = vector.broadcast %broadcast_in_dim3A : f32 to vector<16xf32>
        %get3A_199 = arith.index_cast %mul3A_197 : i32 to index
        %get3A_200 = arith.constant 0 : index
        %get3A_201 = tpu.vector_load %arg5[%get3A_199, %get3A_200] {strides = array<i32>} : memref<64x256xf32, #tpu.memory_space<vmem>>, vector<1x16xf32>,
        %get3A_202 = vector.shape_cast %get3A_201 : vector<1x16xf32> to vector<16xf32>
        %get3A_203 = arith.constant 0 : index
        %get3A_204 = tpu.vector_load %arg7[%get3A_203] {strides = array<i32>} : memref<256xf32, #tpu.memory_space<vmem>>, vector<16xf32>,
        %get3A_205 = vector.shape_cast %get3A_204 : vector<16xf32> to vector<16xf32>
        %mul3A_206 = arith.constant 1.000000e+01 : f32
        %mul3A_207 = vector.broadcast %mul3A_206 : f32 to vector<16xf32>
        %mul3A_208 = arith.mulf %get3A_202, %mul3A_207 : vector<16xf32>
        %sub3A_209 = arith.subf %get3A_205, %mul3A_208 : vector<16xf32>
        %min3A = arith.constant 8.000000e+01 : f32
        %min3A_210 = vector.broadcast %min3A : f32 to vector<16xf32>
        %min3A_211 = arith.minimumf %sub3A_209, %min3A_210 : vector<16xf32>
        %exp3A = math.exp %min3A_211 : vector<16xf32>
        %add3A_212 = arith.constant 1.000000e+00 : f32
        %add3A_213 = vector.broadcast %add3A_212 : f32 to vector<16xf32>
        %add3A_214 = arith.addf %add3A_213, %exp3A : vector<16xf32>
        %div3A_215 = arith.constant 1.000000e+00 : f32
        %div3A_216 = vector.broadcast %div3A_215 : f32 to vector<16xf32>
        %div3A_217 = arith.divf %div3A_216, %add3A_214 : vector<16xf32>
        %add3A_218 = arith.addf %broadcast_in_dim3A_198, %div3A_217 : vector<16xf32>
        %get3A_219 = arith.index_cast %mul3A_197 : i32 to index
        %get3A_220 = arith.constant 16 : index
        %get3A_221 = tpu.vector_load %arg5[%get3A_219, %get3A_220] {strides = array<i32>} : memref<64x256xf32, #tpu.memory_space<vmem>>, vector<1x16xf32>,
        %get3A_222 = vector.shape_cast %get3A_221 : vector<1x16xf32> to vector<16xf32>
        %get3A_223 = arith.constant 16 : index
        %get3A_224 = tpu.vector_load %arg7[%get3A_223] {strides = array<i32>} : memref<256xf32, #tpu.memory_space<vmem>>, vector<16xf32>,
        %get3A_225 = vector.shape_cast %get3A_224 : vector<16xf32> to vector<16xf32>
        %mul3A_226 = arith.constant 1.000000e+01 : f32
        %mul3A_227 = vector.broadcast %mul3A_226 : f32 to vector<16xf32>
        %mul3A_228 = arith.mulf %get3A_222, %mul3A_227 : vector<16xf32>
        %sub3A_229 = arith.subf %get3A_225, %mul3A_228 : vector<16xf32>
        %min3A_230 = arith.constant 8.000000e+01 : f32
        %min3A_231 = vector.broadcast %min3A_230 : f32 to vector<16xf32>
        %min3A_232 = arith.minimumf %sub3A_229, %min3A_231 : vector<16xf32>
        %exp3A_233 = math.exp %min3A_232 : vector<16xf32>
        %add3A_234 = arith.constant 1.000000e+00 : f32
        %add3A_235 = vector.broadcast %add3A_234 : f32 to vector<16xf32>
        %add3A_236 = arith.addf %add3A_235, %exp3A_233 : vector<16xf32>
        %div3A_237 = arith.constant 1.000000e+00 : f32
        %div3A_238 = vector.broadcast %div3A_237 : f32 to vector<16xf32>
        %div3A_239 = arith.divf %div3A_238, %add3A_236 : vector<16xf32>
        %add3A_240 = arith.addf %add3A_218, %div3A_239 : vector<16xf32>
        %get3A_241 = arith.index_cast %mul3A_197 : i32 to index
        %get3A_242 = arith.constant 32 : index
        %get3A_243 = tpu.vector_load %arg5[%get3A_241, %get3A_242] {strides = array<i32>} : memref<64x256xf32, #tpu.memory_space<vmem>>, vector<1x16xf32>,
        %get3A_244 = vector.shape_cast %get3A_243 : vector<1x16xf32> to vector<16xf32>
        %get3A_245 = arith.constant 32 : index
        %get3A_246 = tpu.vector_load %arg7[%get3A_245] {strides = array<i32>} : memref<256xf32, #tpu.memory_space<vmem>>, vector<16xf32>,
        %get3A_247 = vector.shape_cast %get3A_246 : vector<16xf32> to vector<16xf32>
        %mul3A_248 = arith.constant 1.000000e+01 : f32
        %mul3A_249 = vector.broadcast %mul3A_248 : f32 to vector<16xf32>
        %mul3A_250 = arith.mulf %get3A_244, %mul3A_249 : vector<16xf32>
        %sub3A_251 = arith.subf %get3A_247, %mul3A_250 : vector<16xf32>
        %min3A_252 = arith.constant 8.000000e+01 : f32
        %min3A_253 = vector.broadcast %min3A_252 : f32 to vector<16xf32>
        %min3A_254 = arith.minimumf %sub3A_251, %min3A_253 : vector<16xf32>
        %exp3A_255 = math.exp %min3A_254 : vector<16xf32>
        %add3A_256 = arith.constant 1.000000e+00 : f32
        %add3A_257 = vector.broadcast %add3A_256 : f32 to vector<16xf32>
        %add3A_258 = arith.addf %add3A_257, %exp3A_255 : vector<16xf32>
        %div3A_259 = arith.constant 1.000000e+00 : f32
        %div3A_260 = vector.broadcast %div3A_259 : f32 to vector<16xf32>
        %div3A_261 = arith.divf %div3A_260, %add3A_258 : vector<16xf32>
        %add3A_262 = arith.addf %add3A_240, %div3A_261 : vector<16xf32>
        %get3A_263 = arith.index_cast %mul3A_197 : i32 to index
        %get3A_264 = arith.constant 48 : index
        %get3A_265 = tpu.vector_load %arg5[%get3A_263, %get3A_264] {strides = array<i32>} : memref<64x256xf32, #tpu.memory_space<vmem>>, vector<1x16xf32>,
        %get3A_266 = vector.shape_cast %get3A_265 : vector<1x16xf32> to vector<16xf32>
        %get3A_267 = arith.constant 48 : index
        %get3A_268 = tpu.vector_load %arg7[%get3A_267] {strides = array<i32>} : memref<256xf32, #tpu.memory_space<vmem>>, vector<16xf32>,
        %get3A_269 = vector.shape_cast %get3A_268 : vector<16xf32> to vector<16xf32>
        %mul3A_270 = arith.constant 1.000000e+01 : f32
        %mul3A_271 = vector.broadcast %mul3A_270 : f32 to vector<16xf32>
        %mul3A_272 = arith.mulf %get3A_266, %mul3A_271 : vector<16xf32>
        %sub3A_273 = arith.subf %get3A_269, %mul3A_272 : vector<16xf32>
        %min3A_274 = arith.constant 8.000000e+01 : f32
        %min3A_275 = vector.broadcast %min3A_274 : f32 to vector<16xf32>
        %min3A_276 = arith.minimumf %sub3A_273, %min3A_275 : vector<16xf32>
        %exp3A_277 = math.exp %min3A_276 : vector<16xf32>
        %add3A_278 = arith.constant 1.000000e+00 : f32
        %add3A_279 = vector.broadcast %add3A_278 : f32 to vector<16xf32>
        %add3A_280 = arith.addf %add3A_279, %exp3A_277 : vector<16xf32>
        %div3A_281 = arith.constant 1.000000e+00 : f32
        %div3A_282 = vector.broadcast %div3A_281 : f32 to vector<16xf32>
        %div3A_283 = arith.divf %div3A_282, %add3A_280 : vector<16xf32>
        %add3A_284 = arith.addf %add3A_262, %div3A_283 : vector<16xf32>
        %get3A_285 = arith.index_cast %mul3A_197 : i32 to index
        %get3A_286 = arith.constant 64 : index
        %get3A_287 = tpu.vector_load %arg5[%get3A_285, %get3A_286] {strides = array<i32>} : memref<64x256xf32, #tpu.memory_space<vmem>>, vector<1x16xf32>,
        %get3A_288 = vector.shape_cast %get3A_287 : vector<1x16xf32> to vector<16xf32>
        %get3A_289 = arith.constant 64 : index
        %get3A_290 = tpu.vector_load %arg7[%get3A_289] {strides = array<i32>} : memref<256xf32, #tpu.memory_space<vmem>>, vector<16xf32>,
        %get3A_291 = vector.shape_cast %get3A_290 : vector<16xf32> to vector<16xf32>
        %mul3A_292 = arith.constant 1.000000e+01 : f32
        %mul3A_293 = vector.broadcast %mul3A_292 : f32 to vector<16xf32>
        %mul3A_294 = arith.mulf %get3A_288, %mul3A_293 : vector<16xf32>
        %sub3A_295 = arith.subf %get3A_291, %mul3A_294 : vector<16xf32>
        %min3A_296 = arith.constant 8.000000e+01 : f32
        %min3A_297 = vector.broadcast %min3A_296 : f32 to vector<16xf32>
        %min3A_298 = arith.minimumf %sub3A_295, %min3A_297 : vector<16xf32>
        %exp3A_299 = math.exp %min3A_298 : vector<16xf32>
        %add3A_300 = arith.constant 1.000000e+00 : f32
        %add3A_301 = vector.broadcast %add3A_300 : f32 to vector<16xf32>
        %add3A_302 = arith.addf %add3A_301, %exp3A_299 : vector<16xf32>
        %div3A_303 = arith.constant 1.000000e+00 : f32
        %div3A_304 = vector.broadcast %div3A_303 : f32 to vector<16xf32>
        %div3A_305 = arith.divf %div3A_304, %add3A_302 : vector<16xf32>
        %add3A_306 = arith.addf %add3A_284, %div3A_305 : vector<16xf32>
        %get3A_307 = arith.index_cast %mul3A_197 : i32 to index
        %get3A_308 = arith.constant 80 : index
        %get3A_309 = tpu.vector_load %arg5[%get3A_307, %get3A_308] {strides = array<i32>} : memref<64x256xf32, #tpu.memory_space<vmem>>, vector<1x16xf32>,
        %get3A_310 = vector.shape_cast %get3A_309 : vector<1x16xf32> to vector<16xf32>
        %get3A_311 = arith.constant 80 : index
        %get3A_312 = tpu.vector_load %arg7[%get3A_311] {strides = array<i32>} : memref<256xf32, #tpu.memory_space<vmem>>, vector<16xf32>,
        %get3A_313 = vector.shape_cast %get3A_312 : vector<16xf32> to vector<16xf32>
        %mul3A_314 = arith.constant 1.000000e+01 : f32
        %mul3A_315 = vector.broadcast %mul3A_314 : f32 to vector<16xf32>
        %mul3A_316 = arith.mulf %get3A_310, %mul3A_315 : vector<16xf32>
        %sub3A_317 = arith.subf %get3A_313, %mul3A_316 : vector<16xf32>
        %min3A_318 = arith.constant 8.000000e+01 : f32
        %min3A_319 = vector.broadcast %min3A_318 : f32 to vector<16xf32>
        %min3A_320 = arith.minimumf %sub3A_317, %min3A_319 : vector<16xf32>
        %exp3A_321 = math.exp %min3A_320 : vector<16xf32>
        %add3A_322 = arith.constant 1.000000e+00 : f32
        %add3A_323 = vector.broadcast %add3A_322 : f32 to vector<16xf32>
        %add3A_324 = arith.addf %add3A_323, %exp3A_321 : vector<16xf32>
        %div3A_325 = arith.constant 1.000000e+00 : f32
        %div3A_326 = vector.broadcast %div3A_325 : f32 to vector<16xf32>
        %div3A_327 = arith.divf %div3A_326, %add3A_324 : vector<16xf32>
        %add3A_328 = arith.addf %add3A_306, %div3A_327 : vector<16xf32>
        %get3A_329 = arith.index_cast %mul3A_197 : i32 to index
        %get3A_330 = arith.constant 96 : index
        %get3A_331 = tpu.vector_load %arg5[%get3A_329, %get3A_330] {strides = array<i32>} : memref<64x256xf32, #tpu.memory_space<vmem>>, vector<1x16xf32>,
        %get3A_332 = vector.shape_cast %get3A_331 : vector<1x16xf32> to vector<16xf32>
        %get3A_333 = arith.constant 96 : index
        %get3A_334 = tpu.vector_load %arg7[%get3A_333] {strides = array<i32>} : memref<256xf32, #tpu.memory_space<vmem>>, vector<16xf32>,
        %get3A_335 = vector.shape_cast %get3A_334 : vector<16xf32> to vector<16xf32>
        %mul3A_336 = arith.constant 1.000000e+01 : f32
        %mul3A_337 = vector.broadcast %mul3A_336 : f32 to vector<16xf32>
        %mul3A_338 = arith.mulf %get3A_332, %mul3A_337 : vector<16xf32>
        %sub3A_339 = arith.subf %get3A_335, %mul3A_338 : vector<16xf32>
        %min3A_340 = arith.constant 8.000000e+01 : f32
        %min3A_341 = vector.broadcast %min3A_340 : f32 to vector<16xf32>
        %min3A_342 = arith.minimumf %sub3A_339, %min3A_341 : vector<16xf32>
        %exp3A_343 = math.exp %min3A_342 : vector<16xf32>
        %add3A_344 = arith.constant 1.000000e+00 : f32
        %add3A_345 = vector.broadcast %add3A_344 : f32 to vector<16xf32>
        %add3A_346 = arith.addf %add3A_345, %exp3A_343 : vector<16xf32>
        %div3A_347 = arith.constant 1.000000e+00 : f32
        %div3A_348 = vector.broadcast %div3A_347 : f32 to vector<16xf32>
        %div3A_349 = arith.divf %div3A_348, %add3A_346 : vector<16xf32>
        %add3A_350 = arith.addf %add3A_328, %div3A_349 : vector<16xf32>
        %get3A_351 = arith.index_cast %mul3A_197 : i32 to index
        %get3A_352 = arith.constant 112 : index
        %get3A_353 = tpu.vector_load %arg5[%get3A_351, %get3A_352] {strides = array<i32>} : memref<64x256xf32, #tpu.memory_space<vmem>>, vector<1x16xf32>,
        %get3A_354 = vector.shape_cast %get3A_353 : vector<1x16xf32> to vector<16xf32>
        %get3A_355 = arith.constant 112 : index
        %get3A_356 = tpu.vector_load %arg7[%get3A_355] {strides = array<i32>} : memref<256xf32, #tpu.memory_space<vmem>>, vector<16xf32>,
        %get3A_357 = vector.shape_cast %get3A_356 : vector<16xf32> to vector<16xf32>
        %mul3A_358 = arith.constant 1.000000e+01 : f32
        %mul3A_359 = vector.broadcast %mul3A_358 : f32 to vector<16xf32>
        %mul3A_360 = arith.mulf %get3A_354, %mul3A_359 : vector<16xf32>
        %sub3A_361 = arith.subf %get3A_357, %mul3A_360 : vector<16xf32>
        %min3A_362 = arith.constant 8.000000e+01 : f32
        %min3A_363 = vector.broadcast %min3A_362 : f32 to vector<16xf32>
        %min3A_364 = arith.minimumf %sub3A_361, %min3A_363 : vector<16xf32>
        %exp3A_365 = math.exp %min3A_364 : vector<16xf32>
        %add3A_366 = arith.constant 1.000000e+00 : f32
        %add3A_367 = vector.broadcast %add3A_366 : f32 to vector<16xf32>
        %add3A_368 = arith.addf %add3A_367, %exp3A_365 : vector<16xf32>
        %div3A_369 = arith.constant 1.000000e+00 : f32
        %div3A_370 = vector.broadcast %div3A_369 : f32 to vector<16xf32>
        %div3A_371 = arith.divf %div3A_370, %add3A_368 : vector<16xf32>
        %add3A_372 = arith.addf %add3A_350, %div3A_371 : vector<16xf32>
        %get3A_373 = arith.index_cast %mul3A_197 : i32 to index
        %get3A_374 = arith.constant 128 : index
        %get3A_375 = tpu.vector_load %arg5[%get3A_373, %get3A_374] {strides = array<i32>} : memref<64x256xf32, #tpu.memory_space<vmem>>, vector<1x16xf32>,
        %get3A_376 = vector.shape_cast %get3A_375 : vector<1x16xf32> to vector<16xf32>
        %get3A_377 = arith.constant 128 : index
        %get3A_378 = tpu.vector_load %arg7[%get3A_377] {strides = array<i32>} : memref<256xf32, #tpu.memory_space<vmem>>, vector<16xf32>,
        %get3A_379 = vector.shape_cast %get3A_378 : vector<16xf32> to vector<16xf32>
        %mul3A_380 = arith.constant 1.000000e+01 : f32
        %mul3A_381 = vector.broadcast %mul3A_380 : f32 to vector<16xf32>
        %mul3A_382 = arith.mulf %get3A_376, %mul3A_381 : vector<16xf32>
        %sub3A_383 = arith.subf %get3A_379, %mul3A_382 : vector<16xf32>
        %min3A_384 = arith.constant 8.000000e+01 : f32
        %min3A_385 = vector.broadcast %min3A_384 : f32 to vector<16xf32>
        %min3A_386 = arith.minimumf %sub3A_383, %min3A_385 : vector<16xf32>
        %exp3A_387 = math.exp %min3A_386 : vector<16xf32>
        %add3A_388 = arith.constant 1.000000e+00 : f32
        %add3A_389 = vector.broadcast %add3A_388 : f32 to vector<16xf32>
        %add3A_390 = arith.addf %add3A_389, %exp3A_387 : vector<16xf32>
        %div3A_391 = arith.constant 1.000000e+00 : f32
        %div3A_392 = vector.broadcast %div3A_391 : f32 to vector<16xf32>
        %div3A_393 = arith.divf %div3A_392, %add3A_390 : vector<16xf32>
        %add3A_394 = arith.addf %add3A_372, %div3A_393 : vector<16xf32>
        %get3A_395 = arith.index_cast %mul3A_197 : i32 to index
        %get3A_396 = arith.constant 144 : index
        %get3A_397 = tpu.vector_load %arg5[%get3A_395, %get3A_396] {strides = array<i32>} : memref<64x256xf32, #tpu.memory_space<vmem>>, vector<1x16xf32>,
        %get3A_398 = vector.shape_cast %get3A_397 : vector<1x16xf32> to vector<16xf32>
        %get3A_399 = arith.constant 144 : index
        %get3A_400 = tpu.vector_load %arg7[%get3A_399] {strides = array<i32>} : memref<256xf32, #tpu.memory_space<vmem>>, vector<16xf32>,
        %get3A_401 = vector.shape_cast %get3A_400 : vector<16xf32> to vector<16xf32>
        %mul3A_402 = arith.constant 1.000000e+01 : f32
        %mul3A_403 = vector.broadcast %mul3A_402 : f32 to vector<16xf32>
        %mul3A_404 = arith.mulf %get3A_398, %mul3A_403 : vector<16xf32>
        %sub3A_405 = arith.subf %get3A_401, %mul3A_404 : vector<16xf32>
        %min3A_406 = arith.constant 8.000000e+01 : f32
        %min3A_407 = vector.broadcast %min3A_406 : f32 to vector<16xf32>
        %min3A_408 = arith.minimumf %sub3A_405, %min3A_407 : vector<16xf32>
        %exp3A_409 = math.exp %min3A_408 : vector<16xf32>
        %add3A_410 = arith.constant 1.000000e+00 : f32
        %add3A_411 = vector.broadcast %add3A_410 : f32 to vector<16xf32>
        %add3A_412 = arith.addf %add3A_411, %exp3A_409 : vector<16xf32>
        %div3A_413 = arith.constant 1.000000e+00 : f32
        %div3A_414 = vector.broadcast %div3A_413 : f32 to vector<16xf32>
        %div3A_415 = arith.divf %div3A_414, %add3A_412 : vector<16xf32>
        %add3A_416 = arith.addf %add3A_394, %div3A_415 : vector<16xf32>
        %get3A_417 = arith.index_cast %mul3A_197 : i32 to index
        %get3A_418 = arith.constant 160 : index
        %get3A_419 = tpu.vector_load %arg5[%get3A_417, %get3A_418] {strides = array<i32>} : memref<64x256xf32, #tpu.memory_space<vmem>>, vector<1x16xf32>,
        %get3A_420 = vector.shape_cast %get3A_419 : vector<1x16xf32> to vector<16xf32>
        %get3A_421 = arith.constant 160 : index
        %get3A_422 = tpu.vector_load %arg7[%get3A_421] {strides = array<i32>} : memref<256xf32, #tpu.memory_space<vmem>>, vector<16xf32>,
        %get3A_423 = vector.shape_cast %get3A_422 : vector<16xf32> to vector<16xf32>
        %mul3A_424 = arith.constant 1.000000e+01 : f32
        %mul3A_425 = vector.broadcast %mul3A_424 : f32 to vector<16xf32>
        %mul3A_426 = arith.mulf %get3A_420, %mul3A_425 : vector<16xf32>
        %sub3A_427 = arith.subf %get3A_423, %mul3A_426 : vector<16xf32>
        %min3A_428 = arith.constant 8.000000e+01 : f32
        %min3A_429 = vector.broadcast %min3A_428 : f32 to vector<16xf32>
        %min3A_430 = arith.minimumf %sub3A_427, %min3A_429 : vector<16xf32>
        %exp3A_431 = math.exp %min3A_430 : vector<16xf32>
        %add3A_432 = arith.constant 1.000000e+00 : f32
        %add3A_433 = vector.broadcast %add3A_432 : f32 to vector<16xf32>
        %add3A_434 = arith.addf %add3A_433, %exp3A_431 : vector<16xf32>
        %div3A_435 = arith.constant 1.000000e+00 : f32
        %div3A_436 = vector.broadcast %div3A_435 : f32 to vector<16xf32>
        %div3A_437 = arith.divf %div3A_436, %add3A_434 : vector<16xf32>
        %add3A_438 = arith.addf %add3A_416, %div3A_437 : vector<16xf32>
        %get3A_439 = arith.index_cast %mul3A_197 : i32 to index
        %get3A_440 = arith.constant 176 : index
        %get3A_441 = tpu.vector_load %arg5[%get3A_439, %get3A_440] {strides = array<i32>} : memref<64x256xf32, #tpu.memory_space<vmem>>, vector<1x16xf32>,
        %get3A_442 = vector.shape_cast %get3A_441 : vector<1x16xf32> to vector<16xf32>
        %get3A_443 = arith.constant 176 : index
        %get3A_444 = tpu.vector_load %arg7[%get3A_443] {strides = array<i32>} : memref<256xf32, #tpu.memory_space<vmem>>, vector<16xf32>,
        %get3A_445 = vector.shape_cast %get3A_444 : vector<16xf32> to vector<16xf32>
        %mul3A_446 = arith.constant 1.000000e+01 : f32
        %mul3A_447 = vector.broadcast %mul3A_446 : f32 to vector<16xf32>
        %mul3A_448 = arith.mulf %get3A_442, %mul3A_447 : vector<16xf32>
        %sub3A_449 = arith.subf %get3A_445, %mul3A_448 : vector<16xf32>
        %min3A_450 = arith.constant 8.000000e+01 : f32
        %min3A_451 = vector.broadcast %min3A_450 : f32 to vector<16xf32>
        %min3A_452 = arith.minimumf %sub3A_449, %min3A_451 : vector<16xf32>
        %exp3A_453 = math.exp %min3A_452 : vector<16xf32>
        %add3A_454 = arith.constant 1.000000e+00 : f32
        %add3A_455 = vector.broadcast %add3A_454 : f32 to vector<16xf32>
        %add3A_456 = arith.addf %add3A_455, %exp3A_453 : vector<16xf32>
        %div3A_457 = arith.constant 1.000000e+00 : f32
        %div3A_458 = vector.broadcast %div3A_457 : f32 to vector<16xf32>
        %div3A_459 = arith.divf %div3A_458, %add3A_456 : vector<16xf32>
        %add3A_460 = arith.addf %add3A_438, %div3A_459 : vector<16xf32>
        %get3A_461 = arith.index_cast %mul3A_197 : i32 to index
        %get3A_462 = arith.constant 192 : index
        %get3A_463 = tpu.vector_load %arg5[%get3A_461, %get3A_462] {strides = array<i32>} : memref<64x256xf32, #tpu.memory_space<vmem>>, vector<1x16xf32>,
        %get3A_464 = vector.shape_cast %get3A_463 : vector<1x16xf32> to vector<16xf32>
        %get3A_465 = arith.constant 192 : index
        %get3A_466 = tpu.vector_load %arg7[%get3A_465] {strides = array<i32>} : memref<256xf32, #tpu.memory_space<vmem>>, vector<16xf32>,
        %get3A_467 = vector.shape_cast %get3A_466 : vector<16xf32> to vector<16xf32>
        %mul3A_468 = arith.constant 1.000000e+01 : f32
        %mul3A_469 = vector.broadcast %mul3A_468 : f32 to vector<16xf32>
        %mul3A_470 = arith.mulf %get3A_464, %mul3A_469 : vector<16xf32>
        %sub3A_471 = arith.subf %get3A_467, %mul3A_470 : vector<16xf32>
        %min3A_472 = arith.constant 8.000000e+01 : f32
        %min3A_473 = vector.broadcast %min3A_472 : f32 to vector<16xf32>
        %min3A_474 = arith.minimumf %sub3A_471, %min3A_473 : vector<16xf32>
        %exp3A_475 = math.exp %min3A_474 : vector<16xf32>
        %add3A_476 = arith.constant 1.000000e+00 : f32
        %add3A_477 = vector.broadcast %add3A_476 : f32 to vector<16xf32>
        %add3A_478 = arith.addf %add3A_477, %exp3A_475 : vector<16xf32>
        %div3A_479 = arith.constant 1.000000e+00 : f32
        %div3A_480 = vector.broadcast %div3A_479 : f32 to vector<16xf32>
        %div3A_481 = arith.divf %div3A_480, %add3A_478 : vector<16xf32>
        %add3A_482 = arith.addf %add3A_460, %div3A_481 : vector<16xf32>
        %get3A_483 = arith.index_cast %mul3A_197 : i32 to index
        %get3A_484 = arith.constant 208 : index
        %get3A_485 = tpu.vector_load %arg5[%get3A_483, %get3A_484] {strides = array<i32>} : memref<64x256xf32, #tpu.memory_space<vmem>>, vector<1x16xf32>,
        %get3A_486 = vector.shape_cast %get3A_485 : vector<1x16xf32> to vector<16xf32>
        %get3A_487 = arith.constant 208 : index
        %get3A_488 = tpu.vector_load %arg7[%get3A_487] {strides = array<i32>} : memref<256xf32, #tpu.memory_space<vmem>>, vector<16xf32>,
        %get3A_489 = vector.shape_cast %get3A_488 : vector<16xf32> to vector<16xf32>
        %mul3A_490 = arith.constant 1.000000e+01 : f32
        %mul3A_491 = vector.broadcast %mul3A_490 : f32 to vector<16xf32>
        %mul3A_492 = arith.mulf %get3A_486, %mul3A_491 : vector<16xf32>
        %sub3A_493 = arith.subf %get3A_489, %mul3A_492 : vector<16xf32>
        %min3A_494 = arith.constant 8.000000e+01 : f32
        %min3A_495 = vector.broadcast %min3A_494 : f32 to vector<16xf32>
        %min3A_496 = arith.minimumf %sub3A_493, %min3A_495 : vector<16xf32>
        %exp3A_497 = math.exp %min3A_496 : vector<16xf32>
        %add3A_498 = arith.constant 1.000000e+00 : f32
        %add3A_499 = vector.broadcast %add3A_498 : f32 to vector<16xf32>
        %add3A_500 = arith.addf %add3A_499, %exp3A_497 : vector<16xf32>
        %div3A_501 = arith.constant 1.000000e+00 : f32
        %div3A_502 = vector.broadcast %div3A_501 : f32 to vector<16xf32>
        %div3A_503 = arith.divf %div3A_502, %add3A_500 : vector<16xf32>
        %add3A_504 = arith.addf %add3A_482, %div3A_503 : vector<16xf32>
        %get3A_505 = arith.index_cast %mul3A_197 : i32 to index
        %get3A_506 = arith.constant 224 : index
        %get3A_507 = tpu.vector_load %arg5[%get3A_505, %get3A_506] {strides = array<i32>} : memref<64x256xf32, #tpu.memory_space<vmem>>, vector<1x16xf32>,
        %get3A_508 = vector.shape_cast %get3A_507 : vector<1x16xf32> to vector<16xf32>
        %get3A_509 = arith.constant 224 : index
        %get3A_510 = tpu.vector_load %arg7[%get3A_509] {strides = array<i32>} : memref<256xf32, #tpu.memory_space<vmem>>, vector<16xf32>,
        %get3A_511 = vector.shape_cast %get3A_510 : vector<16xf32> to vector<16xf32>
        %mul3A_512 = arith.constant 1.000000e+01 : f32
        %mul3A_513 = vector.broadcast %mul3A_512 : f32 to vector<16xf32>
        %mul3A_514 = arith.mulf %get3A_508, %mul3A_513 : vector<16xf32>
        %sub3A_515 = arith.subf %get3A_511, %mul3A_514 : vector<16xf32>
        %min3A_516 = arith.constant 8.000000e+01 : f32
        %min3A_517 = vector.broadcast %min3A_516 : f32 to vector<16xf32>
        %min3A_518 = arith.minimumf %sub3A_515, %min3A_517 : vector<16xf32>
        %exp3A_519 = math.exp %min3A_518 : vector<16xf32>
        %add3A_520 = arith.constant 1.000000e+00 : f32
        %add3A_521 = vector.broadcast %add3A_520 : f32 to vector<16xf32>
        %add3A_522 = arith.addf %add3A_521, %exp3A_519 : vector<16xf32>
        %div3A_523 = arith.constant 1.000000e+00 : f32
        %div3A_524 = vector.broadcast %div3A_523 : f32 to vector<16xf32>
        %div3A_525 = arith.divf %div3A_524, %add3A_522 : vector<16xf32>
        %add3A_526 = arith.addf %add3A_504, %div3A_525 : vector<16xf32>
        %get3A_527 = arith.index_cast %mul3A_197 : i32 to index
        %get3A_528 = arith.constant 240 : index
        %get3A_529 = tpu.vector_load %arg5[%get3A_527, %get3A_528] {strides = array<i32>} : memref<64x256xf32, #tpu.memory_space<vmem>>, vector<1x16xf32>,
        %get3A_530 = vector.shape_cast %get3A_529 : vector<1x16xf32> to vector<16xf32>
        %get3A_531 = arith.constant 240 : index
        %get3A_532 = tpu.vector_load %arg7[%get3A_531] {strides = array<i32>} : memref<256xf32, #tpu.memory_space<vmem>>, vector<16xf32>,
        %get3A_533 = vector.shape_cast %get3A_532 : vector<16xf32> to vector<16xf32>
        %mul3A_534 = arith.constant 1.000000e+01 : f32
        %mul3A_535 = vector.broadcast %mul3A_534 : f32 to vector<16xf32>
        %mul3A_536 = arith.mulf %get3A_530, %mul3A_535 : vector<16xf32>
        %sub3A_537 = arith.subf %get3A_533, %mul3A_536 : vector<16xf32>
        %min3A_538 = arith.constant 8.000000e+01 : f32
        %min3A_539 = vector.broadcast %min3A_538 : f32 to vector<16xf32>
        %min3A_540 = arith.minimumf %sub3A_537, %min3A_539 : vector<16xf32>
        %exp3A_541 = math.exp %min3A_540 : vector<16xf32>
        %add3A_542 = arith.constant 1.000000e+00 : f32
        %add3A_543 = vector.broadcast %add3A_542 : f32 to vector<16xf32>
        %add3A_544 = arith.addf %add3A_543, %exp3A_541 : vector<16xf32>
        %div3A_545 = arith.constant 1.000000e+00 : f32
        %div3A_546 = vector.broadcast %div3A_545 : f32 to vector<16xf32>
        %div3A_547 = arith.divf %div3A_546, %add3A_544 : vector<16xf32>
        %add3A_548 = arith.addf %add3A_526, %div3A_547 : vector<16xf32>
        %mul3A_549 = arith.constant 7.812500e-03 : f32
        %mul3A_550 = vector.broadcast %mul3A_549 : f32 to vector<16xf32>
        %mul3A_551 = arith.mulf %add3A_548, %mul3A_550 : vector<16xf32>
        %swap3A_552 = arith.index_cast %mul3A_197 : i32 to index
        %swap3A_553 = arith.constant 0 : index
        %swap3A_554 = tpu.vector_load %arg6[%swap3A_552, %swap3A_553] {strides = array<i32>} : memref<64x16xf32, #tpu.memory_space<vmem>>, vector<1x16xf32>,
        %swap3A_555 = vector.shape_cast %swap3A_554 : vector<1x16xf32> to vector<16xf32>
        %swap3A_556 = vector.shape_cast %mul3A_551 : vector<16xf32> to vector<1x16xf32>
        tpu.vector_store %arg6[%swap3A_552, %swap3A_553], %swap3A_556 {strides = array<i32>} : memref<64x16xf32, #tpu.memory_space<vmem>>, vector<1x16xf32>,
        %mul3A_557 = arith.constant 2 : i32
        %mul3A_558 = arith.muli %scan3A_195, %mul3A_557 : i32
        %add3A_559 = arith.constant 1 : i32
        %add3A_560 = arith.addi %mul3A_558, %add3A_559 : i32
        %broadcast_in_dim3A_561 = arith.constant 0.000000e+00 : f32
        %broadcast_in_dim3A_562 = vector.broadcast %broadcast_in_dim3A_561 : f32 to vector<16xf32>
        %get3A_563 = arith.index_cast %add3A_560 : i32 to index
        %get3A_564 = arith.constant 0 : index
        %get3A_565 = tpu.vector_load %arg5[%get3A_563, %get3A_564] {strides = array<i32>} : memref<64x256xf32, #tpu.memory_space<vmem>>, vector<1x16xf32>,
        %get3A_566 = vector.shape_cast %get3A_565 : vector<1x16xf32> to vector<16xf32>
        %get3A_567 = arith.constant 0 : index
        %get3A_568 = tpu.vector_load %arg7[%get3A_567] {strides = array<i32>} : memref<256xf32, #tpu.memory_space<vmem>>, vector<16xf32>,
        %get3A_569 = vector.shape_cast %get3A_568 : vector<16xf32> to vector<16xf32>
        %mul3A_570 = arith.constant 1.000000e+01 : f32
        %mul3A_571 = vector.broadcast %mul3A_570 : f32 to vector<16xf32>
        %mul3A_572 = arith.mulf %get3A_566, %mul3A_571 : vector<16xf32>
        %sub3A_573 = arith.subf %get3A_569, %mul3A_572 : vector<16xf32>
        %min3A_574 = arith.constant 8.000000e+01 : f32
        %min3A_575 = vector.broadcast %min3A_574 : f32 to vector<16xf32>
        %min3A_576 = arith.minimumf %sub3A_573, %min3A_575 : vector<16xf32>
        %exp3A_577 = math.exp %min3A_576 : vector<16xf32>
        %add3A_578 = arith.constant 1.000000e+00 : f32
        %add3A_579 = vector.broadcast %add3A_578 : f32 to vector<16xf32>
        %add3A_580 = arith.addf %add3A_579, %exp3A_577 : vector<16xf32>
        %div3A_581 = arith.constant 1.000000e+00 : f32
        %div3A_582 = vector.broadcast %div3A_581 : f32 to vector<16xf32>
        %div3A_583 = arith.divf %div3A_582, %add3A_580 : vector<16xf32>
        %add3A_584 = arith.addf %broadcast_in_dim3A_562, %div3A_583 : vector<16xf32>
        %get3A_585 = arith.index_cast %add3A_560 : i32 to index
        %get3A_586 = arith.constant 16 : index
        %get3A_587 = tpu.vector_load %arg5[%get3A_585, %get3A_586] {strides = array<i32>} : memref<64x256xf32, #tpu.memory_space<vmem>>, vector<1x16xf32>,
        %get3A_588 = vector.shape_cast %get3A_587 : vector<1x16xf32> to vector<16xf32>
        %get3A_589 = arith.constant 16 : index
        %get3A_590 = tpu.vector_load %arg7[%get3A_589] {strides = array<i32>} : memref<256xf32, #tpu.memory_space<vmem>>, vector<16xf32>,
        %get3A_591 = vector.shape_cast %get3A_590 : vector<16xf32> to vector<16xf32>
        %mul3A_592 = arith.constant 1.000000e+01 : f32
        %mul3A_593 = vector.broadcast %mul3A_592 : f32 to vector<16xf32>
        %mul3A_594 = arith.mulf %get3A_588, %mul3A_593 : vector<16xf32>
        %sub3A_595 = arith.subf %get3A_591, %mul3A_594 : vector<16xf32>
        %min3A_596 = arith.constant 8.000000e+01 : f32
        %min3A_597 = vector.broadcast %min3A_596 : f32 to vector<16xf32>
        %min3A_598 = arith.minimumf %sub3A_595, %min3A_597 : vector<16xf32>
        %exp3A_599 = math.exp %min3A_598 : vector<16xf32>
        %add3A_600 = arith.constant 1.000000e+00 : f32
        %add3A_601 = vector.broadcast %add3A_600 : f32 to vector<16xf32>
        %add3A_602 = arith.addf %add3A_601, %exp3A_599 : vector<16xf32>
        %div3A_603 = arith.constant 1.000000e+00 : f32
        %div3A_604 = vector.broadcast %div3A_603 : f32 to vector<16xf32>
        %div3A_605 = arith.divf %div3A_604, %add3A_602 : vector<16xf32>
        %add3A_606 = arith.addf %add3A_584, %div3A_605 : vector<16xf32>
        %get3A_607 = arith.index_cast %add3A_560 : i32 to index
        %get3A_608 = arith.constant 32 : index
        %get3A_609 = tpu.vector_load %arg5[%get3A_607, %get3A_608] {strides = array<i32>} : memref<64x256xf32, #tpu.memory_space<vmem>>, vector<1x16xf32>,
        %get3A_610 = vector.shape_cast %get3A_609 : vector<1x16xf32> to vector<16xf32>
        %get3A_611 = arith.constant 32 : index
        %get3A_612 = tpu.vector_load %arg7[%get3A_611] {strides = array<i32>} : memref<256xf32, #tpu.memory_space<vmem>>, vector<16xf32>,
        %get3A_613 = vector.shape_cast %get3A_612 : vector<16xf32> to vector<16xf32>
        %mul3A_614 = arith.constant 1.000000e+01 : f32
        %mul3A_615 = vector.broadcast %mul3A_614 : f32 to vector<16xf32>
        %mul3A_616 = arith.mulf %get3A_610, %mul3A_615 : vector<16xf32>
        %sub3A_617 = arith.subf %get3A_613, %mul3A_616 : vector<16xf32>
        %min3A_618 = arith.constant 8.000000e+01 : f32
        %min3A_619 = vector.broadcast %min3A_618 : f32 to vector<16xf32>
        %min3A_620 = arith.minimumf %sub3A_617, %min3A_619 : vector<16xf32>
        %exp3A_621 = math.exp %min3A_620 : vector<16xf32>
        %add3A_622 = arith.constant 1.000000e+00 : f32
        %add3A_623 = vector.broadcast %add3A_622 : f32 to vector<16xf32>
        %add3A_624 = arith.addf %add3A_623, %exp3A_621 : vector<16xf32>
        %div3A_625 = arith.constant 1.000000e+00 : f32
        %div3A_626 = vector.broadcast %div3A_625 : f32 to vector<16xf32>
        %div3A_627 = arith.divf %div3A_626, %add3A_624 : vector<16xf32>
        %add3A_628 = arith.addf %add3A_606, %div3A_627 : vector<16xf32>
        %get3A_629 = arith.index_cast %add3A_560 : i32 to index
        %get3A_630 = arith.constant 48 : index
        %get3A_631 = tpu.vector_load %arg5[%get3A_629, %get3A_630] {strides = array<i32>} : memref<64x256xf32, #tpu.memory_space<vmem>>, vector<1x16xf32>,
        %get3A_632 = vector.shape_cast %get3A_631 : vector<1x16xf32> to vector<16xf32>
        %get3A_633 = arith.constant 48 : index
        %get3A_634 = tpu.vector_load %arg7[%get3A_633] {strides = array<i32>} : memref<256xf32, #tpu.memory_space<vmem>>, vector<16xf32>,
        %get3A_635 = vector.shape_cast %get3A_634 : vector<16xf32> to vector<16xf32>
        %mul3A_636 = arith.constant 1.000000e+01 : f32
        %mul3A_637 = vector.broadcast %mul3A_636 : f32 to vector<16xf32>
        %mul3A_638 = arith.mulf %get3A_632, %mul3A_637 : vector<16xf32>
        %sub3A_639 = arith.subf %get3A_635, %mul3A_638 : vector<16xf32>
        %min3A_640 = arith.constant 8.000000e+01 : f32
        %min3A_641 = vector.broadcast %min3A_640 : f32 to vector<16xf32>
        %min3A_642 = arith.minimumf %sub3A_639, %min3A_641 : vector<16xf32>
        %exp3A_643 = math.exp %min3A_642 : vector<16xf32>
        %add3A_644 = arith.constant 1.000000e+00 : f32
        %add3A_645 = vector.broadcast %add3A_644 : f32 to vector<16xf32>
        %add3A_646 = arith.addf %add3A_645, %exp3A_643 : vector<16xf32>
        %div3A_647 = arith.constant 1.000000e+00 : f32
        %div3A_648 = vector.broadcast %div3A_647 : f32 to vector<16xf32>
        %div3A_649 = arith.divf %div3A_648, %add3A_646 : vector<16xf32>
        %add3A_650 = arith.addf %add3A_628, %div3A_649 : vector<16xf32>
        %get3A_651 = arith.index_cast %add3A_560 : i32 to index
        %get3A_652 = arith.constant 64 : index
        %get3A_653 = tpu.vector_load %arg5[%get3A_651, %get3A_652] {strides = array<i32>} : memref<64x256xf32, #tpu.memory_space<vmem>>, vector<1x16xf32>,
        %get3A_654 = vector.shape_cast %get3A_653 : vector<1x16xf32> to vector<16xf32>
        %get3A_655 = arith.constant 64 : index
        %get3A_656 = tpu.vector_load %arg7[%get3A_655] {strides = array<i32>} : memref<256xf32, #tpu.memory_space<vmem>>, vector<16xf32>,
        %get3A_657 = vector.shape_cast %get3A_656 : vector<16xf32> to vector<16xf32>
        %mul3A_658 = arith.constant 1.000000e+01 : f32
        %mul3A_659 = vector.broadcast %mul3A_658 : f32 to vector<16xf32>
        %mul3A_660 = arith.mulf %get3A_654, %mul3A_659 : vector<16xf32>
        %sub3A_661 = arith.subf %get3A_657, %mul3A_660 : vector<16xf32>
        %min3A_662 = arith.constant 8.000000e+01 : f32
        %min3A_663 = vector.broadcast %min3A_662 : f32 to vector<16xf32>
        %min3A_664 = arith.minimumf %sub3A_661, %min3A_663 : vector<16xf32>
        %exp3A_665 = math.exp %min3A_664 : vector<16xf32>
        %add3A_666 = arith.constant 1.000000e+00 : f32
        %add3A_667 = vector.broadcast %add3A_666 : f32 to vector<16xf32>
        %add3A_668 = arith.addf %add3A_667, %exp3A_665 : vector<16xf32>
        %div3A_669 = arith.constant 1.000000e+00 : f32
        %div3A_670 = vector.broadcast %div3A_669 : f32 to vector<16xf32>
        %div3A_671 = arith.divf %div3A_670, %add3A_668 : vector<16xf32>
        %add3A_672 = arith.addf %add3A_650, %div3A_671 : vector<16xf32>
        %get3A_673 = arith.index_cast %add3A_560 : i32 to index
        %get3A_674 = arith.constant 80 : index
        %get3A_675 = tpu.vector_load %arg5[%get3A_673, %get3A_674] {strides = array<i32>} : memref<64x256xf32, #tpu.memory_space<vmem>>, vector<1x16xf32>,
        %get3A_676 = vector.shape_cast %get3A_675 : vector<1x16xf32> to vector<16xf32>
        %get3A_677 = arith.constant 80 : index
        %get3A_678 = tpu.vector_load %arg7[%get3A_677] {strides = array<i32>} : memref<256xf32, #tpu.memory_space<vmem>>, vector<16xf32>,
        %get3A_679 = vector.shape_cast %get3A_678 : vector<16xf32> to vector<16xf32>
        %mul3A_680 = arith.constant 1.000000e+01 : f32
        %mul3A_681 = vector.broadcast %mul3A_680 : f32 to vector<16xf32>
        %mul3A_682 = arith.mulf %get3A_676, %mul3A_681 : vector<16xf32>
        %sub3A_683 = arith.subf %get3A_679, %mul3A_682 : vector<16xf32>
        %min3A_684 = arith.constant 8.000000e+01 : f32
        %min3A_685 = vector.broadcast %min3A_684 : f32 to vector<16xf32>
        %min3A_686 = arith.minimumf %sub3A_683, %min3A_685 : vector<16xf32>
        %exp3A_687 = math.exp %min3A_686 : vector<16xf32>
        %add3A_688 = arith.constant 1.000000e+00 : f32
        %add3A_689 = vector.broadcast %add3A_688 : f32 to vector<16xf32>
        %add3A_690 = arith.addf %add3A_689, %exp3A_687 : vector<16xf32>
        %div3A_691 = arith.constant 1.000000e+00 : f32
        %div3A_692 = vector.broadcast %div3A_691 : f32 to vector<16xf32>
        %div3A_693 = arith.divf %div3A_692, %add3A_690 : vector<16xf32>
        %add3A_694 = arith.addf %add3A_672, %div3A_693 : vector<16xf32>
        %get3A_695 = arith.index_cast %add3A_560 : i32 to index
        %get3A_696 = arith.constant 96 : index
        %get3A_697 = tpu.vector_load %arg5[%get3A_695, %get3A_696] {strides = array<i32>} : memref<64x256xf32, #tpu.memory_space<vmem>>, vector<1x16xf32>,
        %get3A_698 = vector.shape_cast %get3A_697 : vector<1x16xf32> to vector<16xf32>
        %get3A_699 = arith.constant 96 : index
        %get3A_700 = tpu.vector_load %arg7[%get3A_699] {strides = array<i32>} : memref<256xf32, #tpu.memory_space<vmem>>, vector<16xf32>,
        %get3A_701 = vector.shape_cast %get3A_700 : vector<16xf32> to vector<16xf32>
        %mul3A_702 = arith.constant 1.000000e+01 : f32
        %mul3A_703 = vector.broadcast %mul3A_702 : f32 to vector<16xf32>
        %mul3A_704 = arith.mulf %get3A_698, %mul3A_703 : vector<16xf32>
        %sub3A_705 = arith.subf %get3A_701, %mul3A_704 : vector<16xf32>
        %min3A_706 = arith.constant 8.000000e+01 : f32
        %min3A_707 = vector.broadcast %min3A_706 : f32 to vector<16xf32>
        %min3A_708 = arith.minimumf %sub3A_705, %min3A_707 : vector<16xf32>
        %exp3A_709 = math.exp %min3A_708 : vector<16xf32>
        %add3A_710 = arith.constant 1.000000e+00 : f32
        %add3A_711 = vector.broadcast %add3A_710 : f32 to vector<16xf32>
        %add3A_712 = arith.addf %add3A_711, %exp3A_709 : vector<16xf32>
        %div3A_713 = arith.constant 1.000000e+00 : f32
        %div3A_714 = vector.broadcast %div3A_713 : f32 to vector<16xf32>
        %div3A_715 = arith.divf %div3A_714, %add3A_712 : vector<16xf32>
        %add3A_716 = arith.addf %add3A_694, %div3A_715 : vector<16xf32>
        %get3A_717 = arith.index_cast %add3A_560 : i32 to index
        %get3A_718 = arith.constant 112 : index
        %get3A_719 = tpu.vector_load %arg5[%get3A_717, %get3A_718] {strides = array<i32>} : memref<64x256xf32, #tpu.memory_space<vmem>>, vector<1x16xf32>,
        %get3A_720 = vector.shape_cast %get3A_719 : vector<1x16xf32> to vector<16xf32>
        %get3A_721 = arith.constant 112 : index
        %get3A_722 = tpu.vector_load %arg7[%get3A_721] {strides = array<i32>} : memref<256xf32, #tpu.memory_space<vmem>>, vector<16xf32>,
        %get3A_723 = vector.shape_cast %get3A_722 : vector<16xf32> to vector<16xf32>
        %mul3A_724 = arith.constant 1.000000e+01 : f32
        %mul3A_725 = vector.broadcast %mul3A_724 : f32 to vector<16xf32>
        %mul3A_726 = arith.mulf %get3A_720, %mul3A_725 : vector<16xf32>
        %sub3A_727 = arith.subf %get3A_723, %mul3A_726 : vector<16xf32>
        %min3A_728 = arith.constant 8.000000e+01 : f32
        %min3A_729 = vector.broadcast %min3A_728 : f32 to vector<16xf32>
        %min3A_730 = arith.minimumf %sub3A_727, %min3A_729 : vector<16xf32>
        %exp3A_731 = math.exp %min3A_730 : vector<16xf32>
        %add3A_732 = arith.constant 1.000000e+00 : f32
        %add3A_733 = vector.broadcast %add3A_732 : f32 to vector<16xf32>
        %add3A_734 = arith.addf %add3A_733, %exp3A_731 : vector<16xf32>
        %div3A_735 = arith.constant 1.000000e+00 : f32
        %div3A_736 = vector.broadcast %div3A_735 : f32 to vector<16xf32>
        %div3A_737 = arith.divf %div3A_736, %add3A_734 : vector<16xf32>
        %add3A_738 = arith.addf %add3A_716, %div3A_737 : vector<16xf32>
        %get3A_739 = arith.index_cast %add3A_560 : i32 to index
        %get3A_740 = arith.constant 128 : index
        %get3A_741 = tpu.vector_load %arg5[%get3A_739, %get3A_740] {strides = array<i32>} : memref<64x256xf32, #tpu.memory_space<vmem>>, vector<1x16xf32>,
        %get3A_742 = vector.shape_cast %get3A_741 : vector<1x16xf32> to vector<16xf32>
        %get3A_743 = arith.constant 128 : index
        %get3A_744 = tpu.vector_load %arg7[%get3A_743] {strides = array<i32>} : memref<256xf32, #tpu.memory_space<vmem>>, vector<16xf32>,
        %get3A_745 = vector.shape_cast %get3A_744 : vector<16xf32> to vector<16xf32>
        %mul3A_746 = arith.constant 1.000000e+01 : f32
        %mul3A_747 = vector.broadcast %mul3A_746 : f32 to vector<16xf32>
        %mul3A_748 = arith.mulf %get3A_742, %mul3A_747 : vector<16xf32>
        %sub3A_749 = arith.subf %get3A_745, %mul3A_748 : vector<16xf32>
        %min3A_750 = arith.constant 8.000000e+01 : f32
        %min3A_751 = vector.broadcast %min3A_750 : f32 to vector<16xf32>
        %min3A_752 = arith.minimumf %sub3A_749, %min3A_751 : vector<16xf32>
        %exp3A_753 = math.exp %min3A_752 : vector<16xf32>
        %add3A_754 = arith.constant 1.000000e+00 : f32
        %add3A_755 = vector.broadcast %add3A_754 : f32 to vector<16xf32>
        %add3A_756 = arith.addf %add3A_755, %exp3A_753 : vector<16xf32>
        %div3A_757 = arith.constant 1.000000e+00 : f32
        %div3A_758 = vector.broadcast %div3A_757 : f32 to vector<16xf32>
        %div3A_759 = arith.divf %div3A_758, %add3A_756 : vector<16xf32>
        %add3A_760 = arith.addf %add3A_738, %div3A_759 : vector<16xf32>
        %get3A_761 = arith.index_cast %add3A_560 : i32 to index
        %get3A_762 = arith.constant 144 : index
        %get3A_763 = tpu.vector_load %arg5[%get3A_761, %get3A_762] {strides = array<i32>} : memref<64x256xf32, #tpu.memory_space<vmem>>, vector<1x16xf32>,
        %get3A_764 = vector.shape_cast %get3A_763 : vector<1x16xf32> to vector<16xf32>
        %get3A_765 = arith.constant 144 : index
        %get3A_766 = tpu.vector_load %arg7[%get3A_765] {strides = array<i32>} : memref<256xf32, #tpu.memory_space<vmem>>, vector<16xf32>,
        %get3A_767 = vector.shape_cast %get3A_766 : vector<16xf32> to vector<16xf32>
        %mul3A_768 = arith.constant 1.000000e+01 : f32
        %mul3A_769 = vector.broadcast %mul3A_768 : f32 to vector<16xf32>
        %mul3A_770 = arith.mulf %get3A_764, %mul3A_769 : vector<16xf32>
        %sub3A_771 = arith.subf %get3A_767, %mul3A_770 : vector<16xf32>
        %min3A_772 = arith.constant 8.000000e+01 : f32
        %min3A_773 = vector.broadcast %min3A_772 : f32 to vector<16xf32>
        %min3A_774 = arith.minimumf %sub3A_771, %min3A_773 : vector<16xf32>
        %exp3A_775 = math.exp %min3A_774 : vector<16xf32>
        %add3A_776 = arith.constant 1.000000e+00 : f32
        %add3A_777 = vector.broadcast %add3A_776 : f32 to vector<16xf32>
        %add3A_778 = arith.addf %add3A_777, %exp3A_775 : vector<16xf32>
        %div3A_779 = arith.constant 1.000000e+00 : f32
        %div3A_780 = vector.broadcast %div3A_779 : f32 to vector<16xf32>
        %div3A_781 = arith.divf %div3A_780, %add3A_778 : vector<16xf32>
        %add3A_782 = arith.addf %add3A_760, %div3A_781 : vector<16xf32>
        %get3A_783 = arith.index_cast %add3A_560 : i32 to index
        %get3A_784 = arith.constant 160 : index
        %get3A_785 = tpu.vector_load %arg5[%get3A_783, %get3A_784] {strides = array<i32>} : memref<64x256xf32, #tpu.memory_space<vmem>>, vector<1x16xf32>,
        %get3A_786 = vector.shape_cast %get3A_785 : vector<1x16xf32> to vector<16xf32>
        %get3A_787 = arith.constant 160 : index
        %get3A_788 = tpu.vector_load %arg7[%get3A_787] {strides = array<i32>} : memref<256xf32, #tpu.memory_space<vmem>>, vector<16xf32>,
        %get3A_789 = vector.shape_cast %get3A_788 : vector<16xf32> to vector<16xf32>
        %mul3A_790 = arith.constant 1.000000e+01 : f32
        %mul3A_791 = vector.broadcast %mul3A_790 : f32 to vector<16xf32>
        %mul3A_792 = arith.mulf %get3A_786, %mul3A_791 : vector<16xf32>
        %sub3A_793 = arith.subf %get3A_789, %mul3A_792 : vector<16xf32>
        %min3A_794 = arith.constant 8.000000e+01 : f32
        %min3A_795 = vector.broadcast %min3A_794 : f32 to vector<16xf32>
        %min3A_796 = arith.minimumf %sub3A_793, %min3A_795 : vector<16xf32>
        %exp3A_797 = math.exp %min3A_796 : vector<16xf32>
        %add3A_798 = arith.constant 1.000000e+00 : f32
        %add3A_799 = vector.broadcast %add3A_798 : f32 to vector<16xf32>
        %add3A_800 = arith.addf %add3A_799, %exp3A_797 : vector<16xf32>
        %div3A_801 = arith.constant 1.000000e+00 : f32
        %div3A_802 = vector.broadcast %div3A_801 : f32 to vector<16xf32>
        %div3A_803 = arith.divf %div3A_802, %add3A_800 : vector<16xf32>
        %add3A_804 = arith.addf %add3A_782, %div3A_803 : vector<16xf32>
        %get3A_805 = arith.index_cast %add3A_560 : i32 to index
        %get3A_806 = arith.constant 176 : index
        %get3A_807 = tpu.vector_load %arg5[%get3A_805, %get3A_806] {strides = array<i32>} : memref<64x256xf32, #tpu.memory_space<vmem>>, vector<1x16xf32>,
        %get3A_808 = vector.shape_cast %get3A_807 : vector<1x16xf32> to vector<16xf32>
        %get3A_809 = arith.constant 176 : index
        %get3A_810 = tpu.vector_load %arg7[%get3A_809] {strides = array<i32>} : memref<256xf32, #tpu.memory_space<vmem>>, vector<16xf32>,
        %get3A_811 = vector.shape_cast %get3A_810 : vector<16xf32> to vector<16xf32>
        %mul3A_812 = arith.constant 1.000000e+01 : f32
        %mul3A_813 = vector.broadcast %mul3A_812 : f32 to vector<16xf32>
        %mul3A_814 = arith.mulf %get3A_808, %mul3A_813 : vector<16xf32>
        %sub3A_815 = arith.subf %get3A_811, %mul3A_814 : vector<16xf32>
        %min3A_816 = arith.constant 8.000000e+01 : f32
        %min3A_817 = vector.broadcast %min3A_816 : f32 to vector<16xf32>
        %min3A_818 = arith.minimumf %sub3A_815, %min3A_817 : vector<16xf32>
        %exp3A_819 = math.exp %min3A_818 : vector<16xf32>
        %add3A_820 = arith.constant 1.000000e+00 : f32
        %add3A_821 = vector.broadcast %add3A_820 : f32 to vector<16xf32>
        %add3A_822 = arith.addf %add3A_821, %exp3A_819 : vector<16xf32>
        %div3A_823 = arith.constant 1.000000e+00 : f32
        %div3A_824 = vector.broadcast %div3A_823 : f32 to vector<16xf32>
        %div3A_825 = arith.divf %div3A_824, %add3A_822 : vector<16xf32>
        %add3A_826 = arith.addf %add3A_804, %div3A_825 : vector<16xf32>
        %get3A_827 = arith.index_cast %add3A_560 : i32 to index
        %get3A_828 = arith.constant 192 : index
        %get3A_829 = tpu.vector_load %arg5[%get3A_827, %get3A_828] {strides = array<i32>} : memref<64x256xf32, #tpu.memory_space<vmem>>, vector<1x16xf32>,
        %get3A_830 = vector.shape_cast %get3A_829 : vector<1x16xf32> to vector<16xf32>
        %get3A_831 = arith.constant 192 : index
        %get3A_832 = tpu.vector_load %arg7[%get3A_831] {strides = array<i32>} : memref<256xf32, #tpu.memory_space<vmem>>, vector<16xf32>,
        %get3A_833 = vector.shape_cast %get3A_832 : vector<16xf32> to vector<16xf32>
        %mul3A_834 = arith.constant 1.000000e+01 : f32
        %mul3A_835 = vector.broadcast %mul3A_834 : f32 to vector<16xf32>
        %mul3A_836 = arith.mulf %get3A_830, %mul3A_835 : vector<16xf32>
        %sub3A_837 = arith.subf %get3A_833, %mul3A_836 : vector<16xf32>
        %min3A_838 = arith.constant 8.000000e+01 : f32
        %min3A_839 = vector.broadcast %min3A_838 : f32 to vector<16xf32>
        %min3A_840 = arith.minimumf %sub3A_837, %min3A_839 : vector<16xf32>
        %exp3A_841 = math.exp %min3A_840 : vector<16xf32>
        %add3A_842 = arith.constant 1.000000e+00 : f32
        %add3A_843 = vector.broadcast %add3A_842 : f32 to vector<16xf32>
        %add3A_844 = arith.addf %add3A_843, %exp3A_841 : vector<16xf32>
        %div3A_845 = arith.constant 1.000000e+00 : f32
        %div3A_846 = vector.broadcast %div3A_845 : f32 to vector<16xf32>
        %div3A_847 = arith.divf %div3A_846, %add3A_844 : vector<16xf32>
        %add3A_848 = arith.addf %add3A_826, %div3A_847 : vector<16xf32>
        %get3A_849 = arith.index_cast %add3A_560 : i32 to index
        %get3A_850 = arith.constant 208 : index
        %get3A_851 = tpu.vector_load %arg5[%get3A_849, %get3A_850] {strides = array<i32>} : memref<64x256xf32, #tpu.memory_space<vmem>>, vector<1x16xf32>,
        %get3A_852 = vector.shape_cast %get3A_851 : vector<1x16xf32> to vector<16xf32>
        %get3A_853 = arith.constant 208 : index
        %get3A_854 = tpu.vector_load %arg7[%get3A_853] {strides = array<i32>} : memref<256xf32, #tpu.memory_space<vmem>>, vector<16xf32>,
        %get3A_855 = vector.shape_cast %get3A_854 : vector<16xf32> to vector<16xf32>
        %mul3A_856 = arith.constant 1.000000e+01 : f32
        %mul3A_857 = vector.broadcast %mul3A_856 : f32 to vector<16xf32>
        %mul3A_858 = arith.mulf %get3A_852, %mul3A_857 : vector<16xf32>
        %sub3A_859 = arith.subf %get3A_855, %mul3A_858 : vector<16xf32>
        %min3A_860 = arith.constant 8.000000e+01 : f32
        %min3A_861 = vector.broadcast %min3A_860 : f32 to vector<16xf32>
        %min3A_862 = arith.minimumf %sub3A_859, %min3A_861 : vector<16xf32>
        %exp3A_863 = math.exp %min3A_862 : vector<16xf32>
        %add3A_864 = arith.constant 1.000000e+00 : f32
        %add3A_865 = vector.broadcast %add3A_864 : f32 to vector<16xf32>
        %add3A_866 = arith.addf %add3A_865, %exp3A_863 : vector<16xf32>
        %div3A_867 = arith.constant 1.000000e+00 : f32
        %div3A_868 = vector.broadcast %div3A_867 : f32 to vector<16xf32>
        %div3A_869 = arith.divf %div3A_868, %add3A_866 : vector<16xf32>
        %add3A_870 = arith.addf %add3A_848, %div3A_869 : vector<16xf32>
        %get3A_871 = arith.index_cast %add3A_560 : i32 to index
        %get3A_872 = arith.constant 224 : index
        %get3A_873 = tpu.vector_load %arg5[%get3A_871, %get3A_872] {strides = array<i32>} : memref<64x256xf32, #tpu.memory_space<vmem>>, vector<1x16xf32>,
        %get3A_874 = vector.shape_cast %get3A_873 : vector<1x16xf32> to vector<16xf32>
        %get3A_875 = arith.constant 224 : index
        %get3A_876 = tpu.vector_load %arg7[%get3A_875] {strides = array<i32>} : memref<256xf32, #tpu.memory_space<vmem>>, vector<16xf32>,
        %get3A_877 = vector.shape_cast %get3A_876 : vector<16xf32> to vector<16xf32>
        %mul3A_878 = arith.constant 1.000000e+01 : f32
        %mul3A_879 = vector.broadcast %mul3A_878 : f32 to vector<16xf32>
        %mul3A_880 = arith.mulf %get3A_874, %mul3A_879 : vector<16xf32>
        %sub3A_881 = arith.subf %get3A_877, %mul3A_880 : vector<16xf32>
        %min3A_882 = arith.constant 8.000000e+01 : f32
        %min3A_883 = vector.broadcast %min3A_882 : f32 to vector<16xf32>
        %min3A_884 = arith.minimumf %sub3A_881, %min3A_883 : vector<16xf32>
        %exp3A_885 = math.exp %min3A_884 : vector<16xf32>
        %add3A_886 = arith.constant 1.000000e+00 : f32
        %add3A_887 = vector.broadcast %add3A_886 : f32 to vector<16xf32>
        %add3A_888 = arith.addf %add3A_887, %exp3A_885 : vector<16xf32>
        %div3A_889 = arith.constant 1.000000e+00 : f32
        %div3A_890 = vector.broadcast %div3A_889 : f32 to vector<16xf32>
        %div3A_891 = arith.divf %div3A_890, %add3A_888 : vector<16xf32>
        %add3A_892 = arith.addf %add3A_870, %div3A_891 : vector<16xf32>
        %get3A_893 = arith.index_cast %add3A_560 : i32 to index
        %get3A_894 = arith.constant 240 : index
        %get3A_895 = tpu.vector_load %arg5[%get3A_893, %get3A_894] {strides = array<i32>} : memref<64x256xf32, #tpu.memory_space<vmem>>, vector<1x16xf32>,
        %get3A_896 = vector.shape_cast %get3A_895 : vector<1x16xf32> to vector<16xf32>
        %get3A_897 = arith.constant 240 : index
        %get3A_898 = tpu.vector_load %arg7[%get3A_897] {strides = array<i32>} : memref<256xf32, #tpu.memory_space<vmem>>, vector<16xf32>,
        %get3A_899 = vector.shape_cast %get3A_898 : vector<16xf32> to vector<16xf32>
        %mul3A_900 = arith.constant 1.000000e+01 : f32
        %mul3A_901 = vector.broadcast %mul3A_900 : f32 to vector<16xf32>
        %mul3A_902 = arith.mulf %get3A_896, %mul3A_901 : vector<16xf32>
        %sub3A_903 = arith.subf %get3A_899, %mul3A_902 : vector<16xf32>
        %min3A_904 = arith.constant 8.000000e+01 : f32
        %min3A_905 = vector.broadcast %min3A_904 : f32 to vector<16xf32>
        %min3A_906 = arith.minimumf %sub3A_903, %min3A_905 : vector<16xf32>
        %exp3A_907 = math.exp %min3A_906 : vector<16xf32>
        %add3A_908 = arith.constant 1.000000e+00 : f32
        %add3A_909 = vector.broadcast %add3A_908 : f32 to vector<16xf32>
        %add3A_910 = arith.addf %add3A_909, %exp3A_907 : vector<16xf32>
        %div3A_911 = arith.constant 1.000000e+00 : f32
        %div3A_912 = vector.broadcast %div3A_911 : f32 to vector<16xf32>
        %div3A_913 = arith.divf %div3A_912, %add3A_910 : vector<16xf32>
        %add3A_914 = arith.addf %add3A_892, %div3A_913 : vector<16xf32>
        %mul3A_915 = arith.constant 7.812500e-03 : f32
        %mul3A_916 = vector.broadcast %mul3A_915 : f32 to vector<16xf32>
        %mul3A_917 = arith.mulf %add3A_914, %mul3A_916 : vector<16xf32>
        %swap3A_918 = arith.index_cast %add3A_560 : i32 to index
        %swap3A_919 = arith.constant 0 : index
        %swap3A_920 = tpu.vector_load %arg6[%swap3A_918, %swap3A_919] {strides = array<i32>} : memref<64x16xf32, #tpu.memory_space<vmem>>, vector<1x16xf32>,
        %swap3A_921 = vector.shape_cast %swap3A_920 : vector<1x16xf32> to vector<16xf32>
        %swap3A_922 = vector.shape_cast %mul3A_917 : vector<16xf32> to vector<1x16xf32>
        tpu.vector_store %arg6[%swap3A_918, %swap3A_919], %swap3A_922 {strides = array<i32>} : memref<64x16xf32, #tpu.memory_space<vmem>>, vector<1x16xf32>,
      }
      %scan3A_191 = arith.constant 32 : i32
      %mul3A_192 = arith.constant 64 : i32
      %mul3A_193 = arith.muli %scan3A_182, %mul3A_192 : i32
      %add3A_194 = arith.addi %mul3A_2, %mul3A_193 : i32
      "tpu.region"() ({
        %run_scoped3A = tpu.sem_alloc : memref<!tpu.dma_semaphore, #tpu.memory_space<semaphore_mem>>
        %dma_start3A = arith.constant 0 : i32
        %dma_start3A_195 = tpu.memref_slice %arg4[%add3A_194, %dma_start3A] : memref<32768x16xf32, #tpu.memory_space<hbm>> -> memref<64x16xf32, #tpu.memory_space<hbm>>
        %dma_start3A_196 = arith.constant 0 : i32
        %dma_start3A_197 = tpu.memref_slice %arg4[%add3A_194, %dma_start3A_196] : memref<32768x16xf32, #tpu.memory_space<hbm>> -> memref<64x16xf32, #tpu.memory_space<hbm>>
        tpu.enqueue_dma source(%arg6 : memref<64x16xf32, #tpu.memory_space<vmem>>) target(%dma_start3A_197 : memref<64x16xf32, #tpu.memory_space<hbm>>) target_semaphore(%run_scoped3A : memref<!tpu.dma_semaphore, #tpu.memory_space<semaphore_mem>>)
        %dma_wait3A = arith.constant 0 : i32
        %dma_wait3A_198 = tpu.memref_slice %arg4[%add3A_194, %dma_wait3A] : memref<32768x16xf32, #tpu.memory_space<hbm>> -> memref<64x16xf32, #tpu.memory_space<hbm>>
        %dma_wait3A_199 = arith.constant 0 : i32
        %dma_wait3A_200 = tpu.memref_slice %arg4[%add3A_194, %dma_wait3A_199] : memref<32768x16xf32, #tpu.memory_space<hbm>> -> memref<64x16xf32, #tpu.memory_space<hbm>>
        tpu.wait_dma2 semaphore(%run_scoped3A : memref<!tpu.dma_semaphore, #tpu.memory_space<semaphore_mem>>) src(%arg6 : memref<64x16xf32, #tpu.memory_space<vmem>>) dst(%dma_wait3A_200 : memref<64x16xf32, #tpu.memory_space<hbm>>)
        tpu.yield
      }) : () -> ()
    }
    %scan3A_181 = arith.constant 16 : i32
    return
  }
}

module attributes {stable_mosaic.version = 14 : i64} {
  func.func @_gmax_body(%arg0: i32, %arg1: memref<8192x256xf32, #tpu.memory_space<vmem>>, %arg2: memref<1x1x256xf32, #tpu.memory_space<vmem>>) attributes {dimension_semantics = [#tpu.dimension_semantics<arbitrary>], iteration_bounds = array<i64: 4>, scalar_prefetch = 0 : i64, scratch_operands = 0 : i64, tpu.core_type = #tpu.core_type<tc>, window_params = [{transform_indices = @transform_0, window_bounds = array<i64: 8192, 256>}, {transform_indices = @transform_1, window_bounds = array<i64: 1, 1, 256>}]} {
    %get3A = arith.constant 0 : index
    %get3A_0 = arith.constant 0 : index
    %get3A_1 = vector.load %arg1[%get3A, %get3A_0] : memref<8192x256xf32, #tpu.memory_space<vmem>>, vector<8192x256xf32>
    %reduce_max3A = arith.constant dense<0xFF800000> : vector<256xf32>
    %reduce_max3A_2 = vector.multi_reduction <maximumf>, %get3A_1, %reduce_max3A [0] : vector<8192x256xf32> to vector<256xf32>
    %broadcast_in_dim3A = vector.shape_cast %reduce_max3A_2 : vector<256xf32> to vector<1x256xf32>
    %swap3A = arith.constant 0 : index
    %swap3A_3 = arith.constant 0 : index
    %swap3A_4 = arith.constant 0 : index
    %swap3A_5 = vector.load %arg2[%swap3A, %swap3A_3, %swap3A_4] : memref<1x1x256xf32, #tpu.memory_space<vmem>>, vector<1x1x256xf32>
    %swap3A_6 = vector.shape_cast %swap3A_5 : vector<1x1x256xf32> to vector<1x256xf32>
    %swap3A_7 = vector.shape_cast %broadcast_in_dim3A : vector<1x256xf32> to vector<1x1x256xf32>
    tpu.vector_store %arg2[%swap3A, %swap3A_3, %swap3A_4], %swap3A_7 {strides = array<i32>} : memref<1x1x256xf32, #tpu.memory_space<vmem>>, vector<1x1x256xf32>,
    return
  }
  func.func @transform_0(%arg0: i32) -> (i32, i32) {
    %c0_i32 = arith.constant 0 : i32
    %c0_i32_0 = arith.constant 0 : i32
    return %arg0, %c0_i32 : i32, i32
  }
  func.func @transform_1(%arg0: i32) -> (i32, i32, i32) {
    %c0_i32 = arith.constant 0 : i32
    %c0_i32_0 = arith.constant 0 : i32
    %c0_i32_1 = arith.constant 0 : i32
    return %arg0, %c0_i32, %c0_i32_0 : i32, i32, i32
  }
}

module attributes {stable_mosaic.version = 14 : i64} {
  func.func @_main_body(%arg0: i32, %arg1: i32, %arg2: memref<256x5xf32, #tpu.memory_space<vmem>>, %arg3: memref<5x8192xf32, #tpu.memory_space<vmem>>, %arg4: memref<256x1xf32, #tpu.memory_space<vmem>>, %arg5: memref<8192x4xbf16, #tpu.memory_space<vmem>>, %arg6: memref<1x1xf32, #tpu.memory_space<vmem>>) attributes {dimension_semantics = [#tpu.dimension_semantics<arbitrary>, #tpu.dimension_semantics<arbitrary>], iteration_bounds = array<i64: 4, 32>, scalar_prefetch = 0 : i64, scratch_operands = 0 : i64, tpu.core_type = #tpu.core_type<tc>, window_params = [{transform_indices = @transform_0, window_bounds = array<i64: 256, 5>}, {transform_indices = @transform_1, window_bounds = array<i64: 5, 8192>}, {transform_indices = @transform_2, window_bounds = array<i64: 256, 1>}, {transform_indices = @transform_3, window_bounds = array<i64: 8192, 4>}, {pipeline_mode = #tpu.pipeline_mode<synchronous>, transform_indices = @transform_4, window_bounds = array<i64: 1, 1>}]} {
    %eq3A = arith.constant 0 : i32
    %eq3A_0 = arith.cmpi eq, %arg0, %eq3A : i32
    %eq3A_1 = arith.constant 0 : i32
    %eq3A_2 = arith.cmpi eq, %arg1, %eq3A_1 : i32
    %and3A = arith.andi %eq3A_0, %eq3A_2 : i1
    %convert_element_type3A = arith.extui %and3A : i1 to i32
    %cond3A = arith.constant 0 : i32
    %cond3A_3 = arith.cmpi ne, %convert_element_type3A, %cond3A : i32
    scf.if %cond3A_3 {
      %broadcast_in_dim3A_234 = arith.constant 0.000000e+00 : f32
      %broadcast_in_dim3A_235 = vector.broadcast %broadcast_in_dim3A_234 : f32 to vector<1x1xf32>
      %swap3A_236 = arith.constant 0 : index
      %swap3A_237 = arith.constant 0 : index
      %swap3A_238 = vector.load %arg6[%swap3A_236, %swap3A_237] : memref<1x1xf32, #tpu.memory_space<vmem>>, vector<1x1xf32>
      tpu.vector_store %arg6[%swap3A_236, %swap3A_237], %broadcast_in_dim3A_235 {strides = array<i32>} : memref<1x1xf32, #tpu.memory_space<vmem>>, vector<1x1xf32>,
    } else {
    }
    %get3A = arith.constant 0 : index
    %get3A_4 = arith.constant 0 : index
    %get3A_5 = vector.load %arg2[%get3A, %get3A_4] : memref<256x5xf32, #tpu.memory_space<vmem>>, vector<256x5xf32>
    %get3A_6 = arith.constant 0 : index
    %get3A_7 = arith.constant 0 : index
    %get3A_8 = vector.load %arg3[%get3A_6, %get3A_7] : memref<5x8192xf32, #tpu.memory_space<vmem>>, vector<5x8192xf32>
    %dot_general3A = arith.constant dense<0.000000e+00> : vector<256x8192xf32>
    %dot_general3A_9 = tpu.matmul %get3A_5, %get3A_8, %dot_general3A {dimension_numbers = #tpu.dot_dimension_numbers<[1], [0], [0], [1], [0, 0, 1, 1], [], []>, transpose_lhs_hint = false} : vector<256x5xf32>, vector<5x8192xf32>, vector<256x8192xf32> -> vector<256x8192xf32>
    %convert_element_type3A_10 = arith.truncf %dot_general3A_9 : vector<256x8192xf32> to vector<256x8192xbf16>
    %slice3A = vector.extract_strided_slice %convert_element_type3A_10 {offsets = [0, 0], sizes = [256, 256], strides = [1, 1]} : vector<256x8192xbf16> to vector<256x256xbf16>
    %slice3A_11 = vector.extract_strided_slice %convert_element_type3A_10 {offsets = [0, 256], sizes = [256, 256], strides = [1, 1]} : vector<256x8192xbf16> to vector<256x256xbf16>
    %min3A = arith.minimumf %slice3A, %slice3A_11 : vector<256x256xbf16>
    %slice3A_12 = vector.extract_strided_slice %convert_element_type3A_10 {offsets = [0, 512], sizes = [256, 256], strides = [1, 1]} : vector<256x8192xbf16> to vector<256x256xbf16>
    %min3A_13 = arith.minimumf %min3A, %slice3A_12 : vector<256x256xbf16>
    %slice3A_14 = vector.extract_strided_slice %convert_element_type3A_10 {offsets = [0, 768], sizes = [256, 256], strides = [1, 1]} : vector<256x8192xbf16> to vector<256x256xbf16>
    %min3A_15 = arith.minimumf %min3A_13, %slice3A_14 : vector<256x256xbf16>
    %slice3A_16 = vector.extract_strided_slice %convert_element_type3A_10 {offsets = [0, 1024], sizes = [256, 256], strides = [1, 1]} : vector<256x8192xbf16> to vector<256x256xbf16>
    %min3A_17 = arith.minimumf %min3A_15, %slice3A_16 : vector<256x256xbf16>
    %slice3A_18 = vector.extract_strided_slice %convert_element_type3A_10 {offsets = [0, 1280], sizes = [256, 256], strides = [1, 1]} : vector<256x8192xbf16> to vector<256x256xbf16>
    %min3A_19 = arith.minimumf %min3A_17, %slice3A_18 : vector<256x256xbf16>
    %slice3A_20 = vector.extract_strided_slice %convert_element_type3A_10 {offsets = [0, 1536], sizes = [256, 256], strides = [1, 1]} : vector<256x8192xbf16> to vector<256x256xbf16>
    %min3A_21 = arith.minimumf %min3A_19, %slice3A_20 : vector<256x256xbf16>
    %slice3A_22 = vector.extract_strided_slice %convert_element_type3A_10 {offsets = [0, 1792], sizes = [256, 256], strides = [1, 1]} : vector<256x8192xbf16> to vector<256x256xbf16>
    %min3A_23 = arith.minimumf %min3A_21, %slice3A_22 : vector<256x256xbf16>
    %slice3A_24 = vector.extract_strided_slice %convert_element_type3A_10 {offsets = [0, 2048], sizes = [256, 256], strides = [1, 1]} : vector<256x8192xbf16> to vector<256x256xbf16>
    %min3A_25 = arith.minimumf %min3A_23, %slice3A_24 : vector<256x256xbf16>
    %slice3A_26 = vector.extract_strided_slice %convert_element_type3A_10 {offsets = [0, 2304], sizes = [256, 256], strides = [1, 1]} : vector<256x8192xbf16> to vector<256x256xbf16>
    %min3A_27 = arith.minimumf %min3A_25, %slice3A_26 : vector<256x256xbf16>
    %slice3A_28 = vector.extract_strided_slice %convert_element_type3A_10 {offsets = [0, 2560], sizes = [256, 256], strides = [1, 1]} : vector<256x8192xbf16> to vector<256x256xbf16>
    %min3A_29 = arith.minimumf %min3A_27, %slice3A_28 : vector<256x256xbf16>
    %slice3A_30 = vector.extract_strided_slice %convert_element_type3A_10 {offsets = [0, 2816], sizes = [256, 256], strides = [1, 1]} : vector<256x8192xbf16> to vector<256x256xbf16>
    %min3A_31 = arith.minimumf %min3A_29, %slice3A_30 : vector<256x256xbf16>
    %slice3A_32 = vector.extract_strided_slice %convert_element_type3A_10 {offsets = [0, 3072], sizes = [256, 256], strides = [1, 1]} : vector<256x8192xbf16> to vector<256x256xbf16>
    %min3A_33 = arith.minimumf %min3A_31, %slice3A_32 : vector<256x256xbf16>
    %slice3A_34 = vector.extract_strided_slice %convert_element_type3A_10 {offsets = [0, 3328], sizes = [256, 256], strides = [1, 1]} : vector<256x8192xbf16> to vector<256x256xbf16>
    %min3A_35 = arith.minimumf %min3A_33, %slice3A_34 : vector<256x256xbf16>
    %slice3A_36 = vector.extract_strided_slice %convert_element_type3A_10 {offsets = [0, 3584], sizes = [256, 256], strides = [1, 1]} : vector<256x8192xbf16> to vector<256x256xbf16>
    %min3A_37 = arith.minimumf %min3A_35, %slice3A_36 : vector<256x256xbf16>
    %slice3A_38 = vector.extract_strided_slice %convert_element_type3A_10 {offsets = [0, 3840], sizes = [256, 256], strides = [1, 1]} : vector<256x8192xbf16> to vector<256x256xbf16>
    %min3A_39 = arith.minimumf %min3A_37, %slice3A_38 : vector<256x256xbf16>
    %slice3A_40 = vector.extract_strided_slice %convert_element_type3A_10 {offsets = [0, 4096], sizes = [256, 256], strides = [1, 1]} : vector<256x8192xbf16> to vector<256x256xbf16>
    %min3A_41 = arith.minimumf %min3A_39, %slice3A_40 : vector<256x256xbf16>
    %slice3A_42 = vector.extract_strided_slice %convert_element_type3A_10 {offsets = [0, 4352], sizes = [256, 256], strides = [1, 1]} : vector<256x8192xbf16> to vector<256x256xbf16>
    %min3A_43 = arith.minimumf %min3A_41, %slice3A_42 : vector<256x256xbf16>
    %slice3A_44 = vector.extract_strided_slice %convert_element_type3A_10 {offsets = [0, 4608], sizes = [256, 256], strides = [1, 1]} : vector<256x8192xbf16> to vector<256x256xbf16>
    %min3A_45 = arith.minimumf %min3A_43, %slice3A_44 : vector<256x256xbf16>
    %slice3A_46 = vector.extract_strided_slice %convert_element_type3A_10 {offsets = [0, 4864], sizes = [256, 256], strides = [1, 1]} : vector<256x8192xbf16> to vector<256x256xbf16>
    %min3A_47 = arith.minimumf %min3A_45, %slice3A_46 : vector<256x256xbf16>
    %slice3A_48 = vector.extract_strided_slice %convert_element_type3A_10 {offsets = [0, 5120], sizes = [256, 256], strides = [1, 1]} : vector<256x8192xbf16> to vector<256x256xbf16>
    %min3A_49 = arith.minimumf %min3A_47, %slice3A_48 : vector<256x256xbf16>
    %slice3A_50 = vector.extract_strided_slice %convert_element_type3A_10 {offsets = [0, 5376], sizes = [256, 256], strides = [1, 1]} : vector<256x8192xbf16> to vector<256x256xbf16>
    %min3A_51 = arith.minimumf %min3A_49, %slice3A_50 : vector<256x256xbf16>
    %slice3A_52 = vector.extract_strided_slice %convert_element_type3A_10 {offsets = [0, 5632], sizes = [256, 256], strides = [1, 1]} : vector<256x8192xbf16> to vector<256x256xbf16>
    %min3A_53 = arith.minimumf %min3A_51, %slice3A_52 : vector<256x256xbf16>
    %slice3A_54 = vector.extract_strided_slice %convert_element_type3A_10 {offsets = [0, 5888], sizes = [256, 256], strides = [1, 1]} : vector<256x8192xbf16> to vector<256x256xbf16>
    %min3A_55 = arith.minimumf %min3A_53, %slice3A_54 : vector<256x256xbf16>
    %slice3A_56 = vector.extract_strided_slice %convert_element_type3A_10 {offsets = [0, 6144], sizes = [256, 256], strides = [1, 1]} : vector<256x8192xbf16> to vector<256x256xbf16>
    %min3A_57 = arith.minimumf %min3A_55, %slice3A_56 : vector<256x256xbf16>
    %slice3A_58 = vector.extract_strided_slice %convert_element_type3A_10 {offsets = [0, 6400], sizes = [256, 256], strides = [1, 1]} : vector<256x8192xbf16> to vector<256x256xbf16>
    %min3A_59 = arith.minimumf %min3A_57, %slice3A_58 : vector<256x256xbf16>
    %slice3A_60 = vector.extract_strided_slice %convert_element_type3A_10 {offsets = [0, 6656], sizes = [256, 256], strides = [1, 1]} : vector<256x8192xbf16> to vector<256x256xbf16>
    %min3A_61 = arith.minimumf %min3A_59, %slice3A_60 : vector<256x256xbf16>
    %slice3A_62 = vector.extract_strided_slice %convert_element_type3A_10 {offsets = [0, 6912], sizes = [256, 256], strides = [1, 1]} : vector<256x8192xbf16> to vector<256x256xbf16>
    %min3A_63 = arith.minimumf %min3A_61, %slice3A_62 : vector<256x256xbf16>
    %slice3A_64 = vector.extract_strided_slice %convert_element_type3A_10 {offsets = [0, 7168], sizes = [256, 256], strides = [1, 1]} : vector<256x8192xbf16> to vector<256x256xbf16>
    %min3A_65 = arith.minimumf %min3A_63, %slice3A_64 : vector<256x256xbf16>
    %slice3A_66 = vector.extract_strided_slice %convert_element_type3A_10 {offsets = [0, 7424], sizes = [256, 256], strides = [1, 1]} : vector<256x8192xbf16> to vector<256x256xbf16>
    %min3A_67 = arith.minimumf %min3A_65, %slice3A_66 : vector<256x256xbf16>
    %slice3A_68 = vector.extract_strided_slice %convert_element_type3A_10 {offsets = [0, 7680], sizes = [256, 256], strides = [1, 1]} : vector<256x8192xbf16> to vector<256x256xbf16>
    %min3A_69 = arith.minimumf %min3A_67, %slice3A_68 : vector<256x256xbf16>
    %slice3A_70 = vector.extract_strided_slice %convert_element_type3A_10 {offsets = [0, 7936], sizes = [256, 256], strides = [1, 1]} : vector<256x8192xbf16> to vector<256x256xbf16>
    %min3A_71 = arith.minimumf %min3A_69, %slice3A_70 : vector<256x256xbf16>
    %reduce_min3A = arith.constant dense<0x7F80> : vector<256xbf16>
    %reduce_min3A_72 = vector.multi_reduction <minimumf>, %min3A_71, %reduce_min3A [1] : vector<256x256xbf16> to vector<256xbf16>
    %broadcast_in_dim3A = vector.shape_cast %reduce_min3A_72 : vector<256xbf16> to vector<256x1xbf16>
    %le3A = vector.broadcast %broadcast_in_dim3A : vector<256x1xbf16> to vector<256x256xbf16>
    %le3A_73 = arith.cmpf ole, %min3A_71, %le3A : vector<256x256xbf16>
    %jit3A = arith.constant 0x7F80 : bf16
    %broadcast_in_dim3A_74 = vector.broadcast %jit3A : bf16 to vector<256x256xbf16>
    %select_n3A = arith.select %le3A_73, %broadcast_in_dim3A_74, %min3A_71 : vector<256x256xi1>, vector<256x256xbf16>
    %reduce_min3A_75 = arith.constant dense<0x7F80> : vector<256xbf16>
    %reduce_min3A_76 = vector.multi_reduction <minimumf>, %select_n3A, %reduce_min3A_75 [1] : vector<256x256xbf16> to vector<256xbf16>
    %broadcast_in_dim3A_77 = vector.shape_cast %reduce_min3A_76 : vector<256xbf16> to vector<256x1xbf16>
    %le3A_78 = vector.broadcast %broadcast_in_dim3A_77 : vector<256x1xbf16> to vector<256x256xbf16>
    %le3A_79 = arith.cmpf ole, %select_n3A, %le3A_78 : vector<256x256xbf16>
    %jit3A_80 = arith.constant 0x7F80 : bf16
    %broadcast_in_dim3A_81 = vector.broadcast %jit3A_80 : bf16 to vector<256x256xbf16>
    %select_n3A_82 = arith.select %le3A_79, %broadcast_in_dim3A_81, %select_n3A : vector<256x256xi1>, vector<256x256xbf16>
    %reduce_min3A_83 = arith.constant dense<0x7F80> : vector<256xbf16>
    %reduce_min3A_84 = vector.multi_reduction <minimumf>, %select_n3A_82, %reduce_min3A_83 [1] : vector<256x256xbf16> to vector<256xbf16>
    %broadcast_in_dim3A_85 = vector.shape_cast %reduce_min3A_84 : vector<256xbf16> to vector<256x1xbf16>
    %le3A_86 = vector.broadcast %broadcast_in_dim3A_85 : vector<256x1xbf16> to vector<256x256xbf16>
    %le3A_87 = arith.cmpf ole, %select_n3A_82, %le3A_86 : vector<256x256xbf16>
    %jit3A_88 = arith.constant 0x7F80 : bf16
    %broadcast_in_dim3A_89 = vector.broadcast %jit3A_88 : bf16 to vector<256x256xbf16>
    %select_n3A_90 = arith.select %le3A_87, %broadcast_in_dim3A_89, %select_n3A_82 : vector<256x256xi1>, vector<256x256xbf16>
    %reduce_min3A_91 = arith.constant dense<0x7F80> : vector<256xbf16>
    %reduce_min3A_92 = vector.multi_reduction <minimumf>, %select_n3A_90, %reduce_min3A_91 [1] : vector<256x256xbf16> to vector<256xbf16>
    %broadcast_in_dim3A_93 = vector.shape_cast %reduce_min3A_92 : vector<256xbf16> to vector<256x1xbf16>
    %le3A_94 = vector.broadcast %broadcast_in_dim3A_93 : vector<256x1xbf16> to vector<256x256xbf16>
    %le3A_95 = arith.cmpf ole, %select_n3A_90, %le3A_94 : vector<256x256xbf16>
    %jit3A_96 = arith.constant 0x7F80 : bf16
    %broadcast_in_dim3A_97 = vector.broadcast %jit3A_96 : bf16 to vector<256x256xbf16>
    %select_n3A_98 = arith.select %le3A_95, %broadcast_in_dim3A_97, %select_n3A_90 : vector<256x256xi1>, vector<256x256xbf16>
    %reduce_min3A_99 = arith.constant dense<0x7F80> : vector<256xbf16>
    %reduce_min3A_100 = vector.multi_reduction <minimumf>, %select_n3A_98, %reduce_min3A_99 [1] : vector<256x256xbf16> to vector<256xbf16>
    %broadcast_in_dim3A_101 = vector.shape_cast %reduce_min3A_100 : vector<256xbf16> to vector<256x1xbf16>
    %le3A_102 = vector.broadcast %broadcast_in_dim3A_101 : vector<256x1xbf16> to vector<256x256xbf16>
    %le3A_103 = arith.cmpf ole, %select_n3A_98, %le3A_102 : vector<256x256xbf16>
    %jit3A_104 = arith.constant 0x7F80 : bf16
    %broadcast_in_dim3A_105 = vector.broadcast %jit3A_104 : bf16 to vector<256x256xbf16>
    %select_n3A_106 = arith.select %le3A_103, %broadcast_in_dim3A_105, %select_n3A_98 : vector<256x256xi1>, vector<256x256xbf16>
    %reduce_min3A_107 = arith.constant dense<0x7F80> : vector<256xbf16>
    %reduce_min3A_108 = vector.multi_reduction <minimumf>, %select_n3A_106, %reduce_min3A_107 [1] : vector<256x256xbf16> to vector<256xbf16>
    %broadcast_in_dim3A_109 = vector.shape_cast %reduce_min3A_108 : vector<256xbf16> to vector<256x1xbf16>
    %le3A_110 = vector.broadcast %broadcast_in_dim3A_109 : vector<256x1xbf16> to vector<256x256xbf16>
    %le3A_111 = arith.cmpf ole, %select_n3A_106, %le3A_110 : vector<256x256xbf16>
    %jit3A_112 = arith.constant 0x7F80 : bf16
    %broadcast_in_dim3A_113 = vector.broadcast %jit3A_112 : bf16 to vector<256x256xbf16>
    %select_n3A_114 = arith.select %le3A_111, %broadcast_in_dim3A_113, %select_n3A_106 : vector<256x256xi1>, vector<256x256xbf16>
    %reduce_min3A_115 = arith.constant dense<0x7F80> : vector<256xbf16>
    %reduce_min3A_116 = vector.multi_reduction <minimumf>, %select_n3A_114, %reduce_min3A_115 [1] : vector<256x256xbf16> to vector<256xbf16>
    %broadcast_in_dim3A_117 = vector.shape_cast %reduce_min3A_116 : vector<256xbf16> to vector<256x1xbf16>
    %le3A_118 = vector.broadcast %broadcast_in_dim3A_117 : vector<256x1xbf16> to vector<256x256xbf16>
    %le3A_119 = arith.cmpf ole, %select_n3A_114, %le3A_118 : vector<256x256xbf16>
    %jit3A_120 = arith.constant 0x7F80 : bf16
    %broadcast_in_dim3A_121 = vector.broadcast %jit3A_120 : bf16 to vector<256x256xbf16>
    %select_n3A_122 = arith.select %le3A_119, %broadcast_in_dim3A_121, %select_n3A_114 : vector<256x256xi1>, vector<256x256xbf16>
    %reduce_min3A_123 = arith.constant dense<0x7F80> : vector<256xbf16>
    %reduce_min3A_124 = vector.multi_reduction <minimumf>, %select_n3A_122, %reduce_min3A_123 [1] : vector<256x256xbf16> to vector<256xbf16>
    %broadcast_in_dim3A_125 = vector.shape_cast %reduce_min3A_124 : vector<256xbf16> to vector<256x1xbf16>
    %le3A_126 = vector.broadcast %broadcast_in_dim3A_125 : vector<256x1xbf16> to vector<256x256xbf16>
    %le3A_127 = arith.cmpf ole, %select_n3A_122, %le3A_126 : vector<256x256xbf16>
    %jit3A_128 = arith.constant 0x7F80 : bf16
    %broadcast_in_dim3A_129 = vector.broadcast %jit3A_128 : bf16 to vector<256x256xbf16>
    %select_n3A_130 = arith.select %le3A_127, %broadcast_in_dim3A_129, %select_n3A_122 : vector<256x256xi1>, vector<256x256xbf16>
    %reduce_min3A_131 = arith.constant dense<0x7F80> : vector<256xbf16>
    %reduce_min3A_132 = vector.multi_reduction <minimumf>, %select_n3A_130, %reduce_min3A_131 [1] : vector<256x256xbf16> to vector<256xbf16>
    %broadcast_in_dim3A_133 = vector.shape_cast %reduce_min3A_132 : vector<256xbf16> to vector<256x1xbf16>
    %le3A_134 = vector.broadcast %broadcast_in_dim3A_133 : vector<256x1xbf16> to vector<256x256xbf16>
    %le3A_135 = arith.cmpf ole, %select_n3A_130, %le3A_134 : vector<256x256xbf16>
    %jit3A_136 = arith.constant 0x7F80 : bf16
    %broadcast_in_dim3A_137 = vector.broadcast %jit3A_136 : bf16 to vector<256x256xbf16>
    %select_n3A_138 = arith.select %le3A_135, %broadcast_in_dim3A_137, %select_n3A_130 : vector<256x256xi1>, vector<256x256xbf16>
    %reduce_min3A_139 = arith.constant dense<0x7F80> : vector<256xbf16>
    %reduce_min3A_140 = vector.multi_reduction <minimumf>, %select_n3A_138, %reduce_min3A_139 [1] : vector<256x256xbf16> to vector<256xbf16>
    %broadcast_in_dim3A_141 = vector.shape_cast %reduce_min3A_140 : vector<256xbf16> to vector<256x1xbf16>
    %le3A_142 = vector.broadcast %broadcast_in_dim3A_141 : vector<256x1xbf16> to vector<256x256xbf16>
    %le3A_143 = arith.cmpf ole, %select_n3A_138, %le3A_142 : vector<256x256xbf16>
    %jit3A_144 = arith.constant 0x7F80 : bf16
    %broadcast_in_dim3A_145 = vector.broadcast %jit3A_144 : bf16 to vector<256x256xbf16>
    %select_n3A_146 = arith.select %le3A_143, %broadcast_in_dim3A_145, %select_n3A_138 : vector<256x256xi1>, vector<256x256xbf16>
    %reduce_min3A_147 = arith.constant dense<0x7F80> : vector<256xbf16>
    %reduce_min3A_148 = vector.multi_reduction <minimumf>, %select_n3A_146, %reduce_min3A_147 [1] : vector<256x256xbf16> to vector<256xbf16>
    %broadcast_in_dim3A_149 = vector.shape_cast %reduce_min3A_148 : vector<256xbf16> to vector<256x1xbf16>
    %le3A_150 = vector.broadcast %broadcast_in_dim3A_149 : vector<256x1xbf16> to vector<256x256xbf16>
    %le3A_151 = arith.cmpf ole, %select_n3A_146, %le3A_150 : vector<256x256xbf16>
    %jit3A_152 = arith.constant 0x7F80 : bf16
    %broadcast_in_dim3A_153 = vector.broadcast %jit3A_152 : bf16 to vector<256x256xbf16>
    %select_n3A_154 = arith.select %le3A_151, %broadcast_in_dim3A_153, %select_n3A_146 : vector<256x256xi1>, vector<256x256xbf16>
    %reduce_min3A_155 = arith.constant dense<0x7F80> : vector<256xbf16>
    %reduce_min3A_156 = vector.multi_reduction <minimumf>, %select_n3A_154, %reduce_min3A_155 [1] : vector<256x256xbf16> to vector<256xbf16>
    %broadcast_in_dim3A_157 = vector.shape_cast %reduce_min3A_156 : vector<256xbf16> to vector<256x1xbf16>
    %le3A_158 = vector.broadcast %broadcast_in_dim3A_157 : vector<256x1xbf16> to vector<256x256xbf16>
    %le3A_159 = arith.cmpf ole, %select_n3A_154, %le3A_158 : vector<256x256xbf16>
    %jit3A_160 = arith.constant 0x7F80 : bf16
    %broadcast_in_dim3A_161 = vector.broadcast %jit3A_160 : bf16 to vector<256x256xbf16>
    %select_n3A_162 = arith.select %le3A_159, %broadcast_in_dim3A_161, %select_n3A_154 : vector<256x256xi1>, vector<256x256xbf16>
    %reduce_min3A_163 = arith.constant dense<0x7F80> : vector<256xbf16>
    %reduce_min3A_164 = vector.multi_reduction <minimumf>, %select_n3A_162, %reduce_min3A_163 [1] : vector<256x256xbf16> to vector<256xbf16>
    %broadcast_in_dim3A_165 = vector.shape_cast %reduce_min3A_164 : vector<256xbf16> to vector<256x1xbf16>
    %le3A_166 = vector.broadcast %broadcast_in_dim3A_165 : vector<256x1xbf16> to vector<256x256xbf16>
    %le3A_167 = arith.cmpf ole, %select_n3A_162, %le3A_166 : vector<256x256xbf16>
    %jit3A_168 = arith.constant 0x7F80 : bf16
    %broadcast_in_dim3A_169 = vector.broadcast %jit3A_168 : bf16 to vector<256x256xbf16>
    %select_n3A_170 = arith.select %le3A_167, %broadcast_in_dim3A_169, %select_n3A_162 : vector<256x256xi1>, vector<256x256xbf16>
    %reduce_min3A_171 = arith.constant dense<0x7F80> : vector<256xbf16>
    %reduce_min3A_172 = vector.multi_reduction <minimumf>, %select_n3A_170, %reduce_min3A_171 [1] : vector<256x256xbf16> to vector<256xbf16>
    %broadcast_in_dim3A_173 = vector.shape_cast %reduce_min3A_172 : vector<256xbf16> to vector<256x1xbf16>
    %le3A_174 = vector.broadcast %broadcast_in_dim3A_173 : vector<256x1xbf16> to vector<256x256xbf16>
    %le3A_175 = arith.cmpf ole, %select_n3A_170, %le3A_174 : vector<256x256xbf16>
    %jit3A_176 = arith.constant 0x7F80 : bf16
    %broadcast_in_dim3A_177 = vector.broadcast %jit3A_176 : bf16 to vector<256x256xbf16>
    %select_n3A_178 = arith.select %le3A_175, %broadcast_in_dim3A_177, %select_n3A_170 : vector<256x256xi1>, vector<256x256xbf16>
    %reduce_min3A_179 = arith.constant dense<0x7F80> : vector<256xbf16>
    %reduce_min3A_180 = vector.multi_reduction <minimumf>, %select_n3A_178, %reduce_min3A_179 [1] : vector<256x256xbf16> to vector<256xbf16>
    %broadcast_in_dim3A_181 = vector.shape_cast %reduce_min3A_180 : vector<256xbf16> to vector<256x1xbf16>
    %le3A_182 = vector.broadcast %broadcast_in_dim3A_181 : vector<256x1xbf16> to vector<256x256xbf16>
    %le3A_183 = arith.cmpf ole, %select_n3A_178, %le3A_182 : vector<256x256xbf16>
    %jit3A_184 = arith.constant 0x7F80 : bf16
    %broadcast_in_dim3A_185 = vector.broadcast %jit3A_184 : bf16 to vector<256x256xbf16>
    %select_n3A_186 = arith.select %le3A_183, %broadcast_in_dim3A_185, %select_n3A_178 : vector<256x256xi1>, vector<256x256xbf16>
    %reduce_min3A_187 = arith.constant dense<0x7F80> : vector<256xbf16>
    %reduce_min3A_188 = vector.multi_reduction <minimumf>, %select_n3A_186, %reduce_min3A_187 [1] : vector<256x256xbf16> to vector<256xbf16>
    %broadcast_in_dim3A_189 = vector.shape_cast %reduce_min3A_188 : vector<256xbf16> to vector<256x1xbf16>
    %le3A_190 = vector.broadcast %broadcast_in_dim3A_189 : vector<256x1xbf16> to vector<256x8192xbf16>
    %le3A_191 = arith.cmpf ole, %convert_element_type3A_10, %le3A_190 : vector<256x8192xbf16>
    %jit3A_192 = arith.constant 1.000000e+00 : bf16
    %jit3A_193 = arith.constant 0.000000e+00 : bf16
    %broadcast_in_dim3A_194 = vector.broadcast %jit3A_192 : bf16 to vector<256x8192xbf16>
    %broadcast_in_dim3A_195 = vector.broadcast %jit3A_193 : bf16 to vector<256x8192xbf16>
    %select_n3A_196 = arith.select %le3A_191, %broadcast_in_dim3A_194, %broadcast_in_dim3A_195 : vector<256x8192xi1>, vector<256x8192xbf16>
    %get3A_197 = arith.constant 0 : index
    %get3A_198 = arith.constant 0 : index
    %get3A_199 = vector.load %arg5[%get3A_197, %get3A_198] : memref<8192x4xbf16, #tpu.memory_space<vmem>>, vector<8192x4xbf16>
    %dot_general3A_200 = arith.constant dense<0.000000e+00> : vector<256x4xf32>
    %dot_general3A_201 = tpu.matmul %select_n3A_196, %get3A_199, %dot_general3A_200 {dimension_numbers = #tpu.dot_dimension_numbers<[1], [0], [0], [1], [0, 0, 1, 1], [], []>, transpose_lhs_hint = false} : vector<256x8192xbf16>, vector<8192x4xbf16>, vector<256x4xf32> -> vector<256x4xf32>
    %get3A_202 = arith.constant 0 : index
    %get3A_203 = arith.constant 0 : index
    %get3A_204 = vector.load %arg4[%get3A_202, %get3A_203] : memref<256x1xf32, #tpu.memory_space<vmem>>, vector<256x1xf32>
    %slice3A_205 = vector.extract_strided_slice %dot_general3A_201 {offsets = [0, 0], sizes = [256, 1], strides = [1, 1]} : vector<256x4xf32> to vector<256x1xf32>
    %sub3A = arith.constant 1.000000e+00 : f32
    %sub3A_206 = vector.broadcast %sub3A : f32 to vector<256x1xf32>
    %sub3A_207 = arith.subf %slice3A_205, %sub3A_206 : vector<256x1xf32>
    %slice3A_208 = vector.extract_strided_slice %dot_general3A_201 {offsets = [0, 1], sizes = [256, 1], strides = [1, 1]} : vector<256x4xf32> to vector<256x1xf32>
    %sub3A_209 = arith.subf %slice3A_208, %get3A_204 : vector<256x1xf32>
    %slice3A_210 = vector.extract_strided_slice %dot_general3A_201 {offsets = [0, 2], sizes = [256, 1], strides = [1, 1]} : vector<256x4xf32> to vector<256x1xf32>
    %mul3A = arith.mulf %get3A_204, %get3A_204 : vector<256x1xf32>
    %sub3A_211 = arith.subf %slice3A_210, %mul3A : vector<256x1xf32>
    %mul3A_212 = arith.mulf %sub3A_207, %get3A_204 : vector<256x1xf32>
    %mul3A_213 = arith.mulf %mul3A_212, %get3A_204 : vector<256x1xf32>
    %mul3A_214 = arith.constant 2.000000e+00 : f32
    %mul3A_215 = vector.broadcast %mul3A_214 : f32 to vector<256x1xf32>
    %mul3A_216 = arith.mulf %mul3A_215, %get3A_204 : vector<256x1xf32>
    %mul3A_217 = arith.mulf %mul3A_216, %sub3A_209 : vector<256x1xf32>
    %sub3A_218 = arith.subf %mul3A_213, %mul3A_217 : vector<256x1xf32>
    %add3A = arith.addf %sub3A_218, %sub3A_211 : vector<256x1xf32>
    %div3A = arith.constant 1.500000e+01 : f32
    %div3A_219 = vector.broadcast %div3A : f32 to vector<256x1xf32>
    %div3A_220 = arith.divf %div3A_219, %sub3A_207 : vector<256x1xf32>
    %mul3A_221 = arith.mulf %add3A, %div3A_220 : vector<256x1xf32>
    %reduce_sum3A = vector.shape_cast %mul3A_221 : vector<256x1xf32> to vector<1x256x1xf32>
    %reduce_sum3A_222 = arith.constant dense<0.000000e+00> : vector<1xf32>
    %reduce_sum3A_223 = vector.multi_reduction <add>, %reduce_sum3A, %reduce_sum3A_222 [1, 2] : vector<1x256x1xf32> to vector<1xf32>
    %reduce_sum3A_224 = vector.shape_cast %reduce_sum3A_223 : vector<1xf32> to vector<1x1x1xf32>
    %reduce_sum3A_225 = vector.extract %reduce_sum3A_224[0, 0, 0] : f32 from vector<1x1x1xf32>
    %get3A_226 = arith.constant 0 : index
    %get3A_227 = arith.constant 0 : index
    %get3A_228 = vector.load %arg6[%get3A_226, %get3A_227] : memref<1x1xf32, #tpu.memory_space<vmem>>, vector<1x1xf32>
    %div3A_229 = arith.constant 5.242880e+05 : f32
    %div3A_230 = arith.divf %reduce_sum3A_225, %div3A_229 : f32
    %reshape3A = vector.broadcast %div3A_230 : f32 to vector<1x1xf32>
    %add3A_231 = arith.addf %get3A_228, %reshape3A : vector<1x1xf32>
    %swap3A = arith.constant 0 : index
    %swap3A_232 = arith.constant 0 : index
    %swap3A_233 = vector.load %arg6[%swap3A, %swap3A_232] : memref<1x1xf32, #tpu.memory_space<vmem>>, vector<1x1xf32>
    tpu.vector_store %arg6[%swap3A, %swap3A_232], %add3A_231 {strides = array<i32>} : memref<1x1xf32, #tpu.memory_space<vmem>>, vector<1x1xf32>,
    return
  }
  func.func @transform_0(%arg0: i32, %arg1: i32) -> (i32, i32) {
    %mul3A = arith.constant 32 : i32
    %mul3A_0 = arith.muli %arg0, %mul3A : i32
    %add3A = arith.addi %mul3A_0, %arg1 : i32
    %c0_i32 = arith.constant 0 : i32
    %c0_i32_1 = arith.constant 0 : i32
    return %add3A, %c0_i32 : i32, i32
  }
  func.func @transform_1(%arg0: i32, %arg1: i32) -> (i32, i32) {
    %c0_i32 = arith.constant 0 : i32
    %c0_i32_0 = arith.constant 0 : i32
    return %c0_i32, %arg0 : i32, i32
  }
  func.func @transform_2(%arg0: i32, %arg1: i32) -> (i32, i32) {
    %mul3A = arith.constant 32 : i32
    %mul3A_0 = arith.muli %arg0, %mul3A : i32
    %add3A = arith.addi %mul3A_0, %arg1 : i32
    %c0_i32 = arith.constant 0 : i32
    %c0_i32_1 = arith.constant 0 : i32
    return %add3A, %c0_i32 : i32, i32
  }
  func.func @transform_3(%arg0: i32, %arg1: i32) -> (i32, i32) {
    %c0_i32 = arith.constant 0 : i32
    %c0_i32_0 = arith.constant 0 : i32
    return %arg0, %c0_i32 : i32, i32
  }
  func.func @transform_4(%arg0: i32, %arg1: i32) -> (i32, i32) {
    %c0_i32 = arith.constant 0 : i32
    %c0_i32_0 = arith.constant 0 : i32
    %c0_i32_1 = arith.constant 0 : i32
    return %c0_i32, %c0_i32_0 : i32, i32
  }
}

module attributes {stable_mosaic.version = 14 : i64} {
  func.func @_gepi_body(%arg0: i32, %arg1: memref<2048x16xf32, #tpu.memory_space<vmem>>, %arg2: memref<2048x1xf32, #tpu.memory_space<vmem>>, %arg3: memref<1x1xf32, #tpu.memory_space<vmem>>) attributes {dimension_semantics = [#tpu.dimension_semantics<arbitrary>], iteration_bounds = array<i64: 16>, scalar_prefetch = 0 : i64, scratch_operands = 0 : i64, tpu.core_type = #tpu.core_type<tc>, window_params = [{transform_indices = @transform_0, window_bounds = array<i64: 2048, 16>}, {transform_indices = @transform_1, window_bounds = array<i64: 2048, 1>}, {pipeline_mode = #tpu.pipeline_mode<synchronous>, transform_indices = @transform_2, window_bounds = array<i64: 1, 1>}]} {
    %eq3A = arith.constant 0 : i32
    %eq3A_0 = arith.cmpi eq, %arg0, %eq3A : i32
    %convert_element_type3A = arith.extui %eq3A_0 : i1 to i32
    %cond3A = arith.constant 0 : i32
    %cond3A_1 = arith.cmpi ne, %convert_element_type3A, %cond3A : i32
    scf.if %cond3A_1 {
      %broadcast_in_dim3A_19 = arith.constant 0.000000e+00 : f32
      %broadcast_in_dim3A_20 = vector.broadcast %broadcast_in_dim3A_19 : f32 to vector<1x1xf32>
      %swap3A_21 = arith.constant 0 : index
      %swap3A_22 = arith.constant 0 : index
      %swap3A_23 = vector.load %arg3[%swap3A_21, %swap3A_22] : memref<1x1xf32, #tpu.memory_space<vmem>>, vector<1x1xf32>
      tpu.vector_store %arg3[%swap3A_21, %swap3A_22], %broadcast_in_dim3A_20 {strides = array<i32>} : memref<1x1xf32, #tpu.memory_space<vmem>>, vector<1x1xf32>,
    } else {
    }
    %get3A = arith.constant 0 : index
    %get3A_2 = arith.constant 0 : index
    %get3A_3 = vector.load %arg1[%get3A, %get3A_2] : memref<2048x16xf32, #tpu.memory_space<vmem>>, vector<2048x16xf32>
    %reduce_sum3A = arith.constant dense<0.000000e+00> : vector<2048xf32>
    %reduce_sum3A_4 = vector.multi_reduction <add>, %get3A_3, %reduce_sum3A [1] : vector<2048x16xf32> to vector<2048xf32>
    %broadcast_in_dim3A = vector.shape_cast %reduce_sum3A_4 : vector<2048xf32> to vector<2048x1xf32>
    %get3A_5 = arith.constant 0 : index
    %get3A_6 = arith.constant 0 : index
    %get3A_7 = vector.load %arg2[%get3A_5, %get3A_6] : memref<2048x1xf32, #tpu.memory_space<vmem>>, vector<2048x1xf32>
    %sub3A = arith.subf %get3A_7, %broadcast_in_dim3A : vector<2048x1xf32>
    %get3A_8 = arith.constant 0 : index
    %get3A_9 = arith.constant 0 : index
    %get3A_10 = vector.load %arg3[%get3A_8, %get3A_9] : memref<1x1xf32, #tpu.memory_space<vmem>>, vector<1x1xf32>
    %mul3A = arith.mulf %sub3A, %sub3A : vector<2048x1xf32>
    %reduce_sum3A_11 = vector.shape_cast %mul3A : vector<2048x1xf32> to vector<1x2048x1xf32>
    %reduce_sum3A_12 = arith.constant dense<0.000000e+00> : vector<1xf32>
    %reduce_sum3A_13 = vector.multi_reduction <add>, %reduce_sum3A_11, %reduce_sum3A_12 [1, 2] : vector<1x2048x1xf32> to vector<1xf32>
    %reduce_sum3A_14 = vector.shape_cast %reduce_sum3A_13 : vector<1xf32> to vector<1x1x1xf32>
    %reduce_sum3A_15 = vector.extract %reduce_sum3A_14[0, 0, 0] : f32 from vector<1x1x1xf32>
    %div3A = arith.constant 3.276800e+04 : f32
    %div3A_16 = arith.divf %reduce_sum3A_15, %div3A : f32
    %reshape3A = vector.broadcast %div3A_16 : f32 to vector<1x1xf32>
    %add3A = arith.addf %get3A_10, %reshape3A : vector<1x1xf32>
    %swap3A = arith.constant 0 : index
    %swap3A_17 = arith.constant 0 : index
    %swap3A_18 = vector.load %arg3[%swap3A, %swap3A_17] : memref<1x1xf32, #tpu.memory_space<vmem>>, vector<1x1xf32>
    tpu.vector_store %arg3[%swap3A, %swap3A_17], %add3A {strides = array<i32>} : memref<1x1xf32, #tpu.memory_space<vmem>>, vector<1x1xf32>,
    return
  }
  func.func @transform_0(%arg0: i32) -> (i32, i32) {
    %c0_i32 = arith.constant 0 : i32
    %c0_i32_0 = arith.constant 0 : i32
    return %arg0, %c0_i32 : i32, i32
  }
  func.func @transform_1(%arg0: i32) -> (i32, i32) {
    %c0_i32 = arith.constant 0 : i32
    %c0_i32_0 = arith.constant 0 : i32
    return %arg0, %c0_i32 : i32, i32
  }
  func.func @transform_2(%arg0: i32) -> (i32, i32) {
    %c0_i32 = arith.constant 0 : i32
    %c0_i32_0 = arith.constant 0 : i32
    %c0_i32_1 = arith.constant 0 : i32
    return %c0_i32, %c0_i32_0 : i32, i32
  }
}

</mosaic_0001>

<sc_bundles>
// kernel: kernel.6.cloned.1.call-start
scs
__scs_entry_jumppad:
0x0: {  	(pc) =	sbr.rel $0x88, $3  }
0x1: {  	(tag) =	ssettag $0x0;
	lr =	simm.s32 $0x1  }
0x2: {  	[smem:$0x3F9E] =	sst lr;
	_ =	strace $0xD0000000  }
0x3: {  	_ = 	snop  }
0x4: {  	_ = 	snop  }
0x5: {  	_ = 	snop  }
0x6: {  	_ = 	snop  }
0x7: {  	_ = 	snop  }
__scs_overlays_trampoline_lowered:
0x8: {  	[smem:$0x3FAD] =	sst s0  }
0x9: {  	[smem:$0x3FAE] =	sst s1  }
0xa: {  	[smem:$0x3FAF] =	sst s2  }
0xb: {  	[smem:$0x3FB0] =	sst s3  }
0xc: {  	[smem:$0x3FB1] =	sst s4  }
0xd: {  	[smem:$0x3FB2] =	sst s5  }
0xe: {  	[smem:$0x3FB3] =	sst s6  }
0xf: {  	[smem:$0x3FB4] =	sst s7  }
0x10: {  	[smem:$0x3FB5] =	sst s8  }
0x11: {  	[smem:$0x3FB6] =	sst s9;
	s0 =	simm.s32 @!p0 $0x0  }
0x12: {  	s1 =	sld [smem:$0x3F9C];
	s0 =	simm.s32 @p0 $0x1  }
0x13: {  	[smem:$0x3FB7] =	sst s0;
	s0 =	simm.s32 @!p1 $0x0  }
0x14: {  	s2 =	sld [smem:$0x3F9B];
	s0 =	simm.s32 @p1 $0x1  }
0x15: {  	[smem:$0x3FB8] =	sst s0;
	s0 =	simm.s32 @!p2 $0x0  }
0x16: {  	s3 =	sld [smem:$0x3FDB];
	s0 =	simm.s32 @p2 $0x1  }
0x17: {  	s4 =	simm.s32 $0x1BF5;
	[smem:$0x3FBA] =	sst s0  }
0x18: {  	s0 =	sld [smem:$0x3F9D];
	_ =	swait.ge [sflag:s4], $0x0  }
0x19: {  	s7 =	sld [smem:$0x3F9E]  }
0x1a: {  	s8 =	sadd.s32 $0xFFFFE003, lr  }
0x1b: {  	s9 =	sadd.s32 $0xFFFFFEF7, lr;
	s5 =	simm.s32 $0xFFFFFFFF;
	p2 =	slt.u32 s8, $0xFFFFF086  }
0x1c: {  	p1 =	slt.u32 s9, $0xF7A;
	s5 =	simm.s32 @!p2 $0x0  }
0x1d: {  	s5 =	simm.s32 @p1 $0x1;
	p0 =	seq.s32 s7, s2  }
0x1e: {  	s7 =	smul.u32 @!p0 $0xF7A, s2;
	p2 =	seq.s32 @!p0 s5, $0x0  }
0x1f: {  	s9 =	smul.u32 $0xF7A, s1;
	s8 =	simm.s32 @!p0 $0x1BF5;
	p2 =	por !p2, p0  }
0x20: {  	[sflag:s8] =	ssyncset.s32 @!p0 $0xFFFFF086;
	s6 =	sadd.s32 @!p0 s3, s7;
	s7 =	simm.s32 @!p0 $0x108  }
0x21: {  	s3 =	sadd.s32 s3, s9;
	s6 =	sadd.s32 @!p0 $0x88, s6;
	s7 =	simm.s32 @p2 $0x1082  }
0x22: {  	[simem:s7], [sflag:s8] =	dma.local @!p0 [hbm:s6], $0xF7A  }
0x23: {  	s9 =	sor.u32 $0xD0000000, s2;
	s6 =	simm.s32 $0x108;
	_ =	swait.ge @!p0 [sflag:s8], $0x0  }
0x24: {  	s3 =	sadd.s32 $0x88, s3;
	s6 =	simm.s32 @!p1 $0x1082;
	[sflag:s4] =	ssyncset.s32 $0xFFFFF086  }
0x25: {  	[simem:s6], [sflag:s4] =	dma.local [hbm:s3], $0xF7A  }
0x26: {  	[smem:$0x3F9E] =	sst s1;
	(tag) =	ssettag s2;
	_ =	strace s9  }
0x27: {  	s1 =	sld [smem:$0x3FAE]  }
0x28: {  	s2 =	sld [smem:$0x3FAF]  }
0x29: {  	s4 =	sld [smem:$0x3FB1]  }
0x2a: {  	p0 =	seq.s32 s5, $0x0;
	s5 =	sld [smem:$0x3FB2]  }
0x2b: {  	s6 =	sld [smem:$0x3FB3]  }
0x2c: {  	s7 =	sld [smem:$0x3FB4]  }
0x2d: {  	s3 =	simm.s32 $0x108;
	s8 =	sld [smem:$0x3FB5]  }
0x2e: {  	s3 =	simm.s32 @!p0 $0x1082;
	s9 =	sld [smem:$0x3FB6]  }
0x2f: {  	lr =	sadd.s32 s0, s3;
	s0 =	sld [smem:$0x3FAD]  }
0x30: {  	s3 =	sld [smem:$0x3FB0]  }
0x31: {  	[smem:$0x3FB9] =	sst s10  }
0x32: {  	s10 =	sld [smem:$0x3FB7];
	_ =	sdelay $0x3  }
0x33: {  	p0 =	seq.s32 s10, $0x1;
	s10 =	sld [smem:$0x3FB9];
	_ =	sdelay $0x3  }
0x34: {  	[smem:$0x3FB9] =	sst s10  }
0x35: {  	s10 =	sld [smem:$0x3FB8];
	_ =	sdelay $0x3  }
0x36: {  	p1 =	seq.s32 s10, $0x1;
	s10 =	sld [smem:$0x3FB9];
	_ =	sdelay $0x3  }
0x37: {  	[smem:$0x3FB9] =	sst s10  }
0x38: {  	s10 =	sld [smem:$0x3FBA]  }
0x39: {  	_ = 	snop;
	(pc) =	sbr.ind lr, $3  }
0x3a: {  	_ = 	snop  }
0x3b: {  	_ = 	snop  }
0x3c: {  	p2 =	seq.s32 s10, $0x1;
	s10 =	sld [smem:$0x3FB9]  }
0x3d: {  	_ =	shalt  }
0x3e: {  	_ =	shalt  }
0x3f: {  	_ =	shalt  }
0x40: {  	_ =	shalt  }
0x41: {  	_ =	shalt  }
0x42: {  	_ =	shalt  }
0x43: {  	_ =	shalt  }
0x44: {  	_ =	shalt  }
0x45: {  	_ =	shalt  }
0x46: {  	_ =	shalt  }
0x47: {  	_ =	shalt  }
0x48: {  	_ =	shalt  }
0x49: {  	_ =	shalt  }
0x4a: {  	_ =	shalt  }
0x4b: {  	_ =	shalt  }
0x4c: {  	_ =	shalt  }
0x4d: {  	_ =	shalt  }
0x4e: {  	_ =	shalt  }
0x4f: {  	_ =	shalt  }
0x50: {  	_ =	shalt  }
0x51: {  	_ =	shalt  }
0x52: {  	_ =	shalt  }
0x53: {  	_ =	shalt  }
0x54: {  	_ =	shalt  }
0x55: {  	_ =	shalt  }
0x56: {  	_ =	shalt  }
0x57: {  	_ =	shalt  }
0x58: {  	_ =	shalt  }
0x59: {  	_ =	shalt  }
0x5a: {  	_ =	shalt  }
0x5b: {  	_ =	shalt  }
0x5c: {  	_ =	shalt  }
0x5d: {  	_ =	shalt  }
0x5e: {  	_ =	shalt  }
0x5f: {  	_ =	shalt  }
0x60: {  	_ =	shalt  }
0x61: {  	_ =	shalt  }
0x62: {  	_ =	shalt  }
0x63: {  	_ =	shalt  }
0x64: {  	_ =	shalt  }
0x65: {  	_ =	shalt  }
0x66: {  	_ =	shalt  }
0x67: {  	_ =	shalt  }
0x68: {  	_ =	shalt  }
0x69: {  	_ =	shalt  }
0x6a: {  	_ =	shalt  }
0x6b: {  	_ =	shalt  }
0x6c: {  	_ =	shalt  }
0x6d: {  	_ =	shalt  }
0x6e: {  	_ =	shalt  }
0x6f: {  	_ =	shalt  }
0x70: {  	_ =	shalt  }
0x71: {  	_ =	shalt  }
0x72: {  	_ =	shalt  }
0x73: {  	_ =	shalt  }
0x74: {  	_ =	shalt  }
0x75: {  	_ =	shalt  }
0x76: {  	_ =	shalt  }
0x77: {  	_ =	shalt  }
0x78: {  	_ =	shalt  }
0x79: {  	_ =	shalt  }
0x7a: {  	_ =	shalt  }
0x7b: {  	_ =	shalt  }
0x7c: {  	_ =	shalt  }
0x7d: {  	_ =	shalt  }
0x7e: {  	_ =	shalt  }
0x7f: {  	_ =	shalt  }
0x80: {  	_ =	shalt  }
0x81: {  	_ =	shalt  }
0x82: {  	_ =	shalt  }
0x83: {  	_ =	shalt  }
0x84: {  	_ =	shalt  }
0x85: {  	_ =	shalt  }
0x86: {  	_ =	shalt  }
0x87: {  	_ =	shalt  }
.Lfunc_end0:
.L_simem_size_0:
called_computation_lowered:
.L_overlay_start_0:
0x88: {  	s2 =	sld [smem:$0x3FD9]  }
0x89: {  	s3 =	sld [smem:$0x3FFE];
	_ =	sdelay $0x1  }
0x8a: {  	s1 =	srdreg.scid  }
0x8b: {  	s0 =	sand.u32 $0x1, s1  }
0x8c: {  	s17 =	sshll.u32 s0, $0xA;
	s2 =	sadd.s32 s3, s2  }
0x8d: {  	s2 =	sadd.s32 s2, s17  }
0x8e: {  	[smem:$0x3FC5] =	sst s2  }
0x8f: {  	_ = 	snop  }
0x90: {  	s2 =	sld [smem:$0x3FC7];
	(tm) =	ssettm $0x1  }
0x91: {  	s18 =	sld [smem:$0x3FFB];
	_ =	sdelay $0x3  }
0x92: {  	_ =	strace s18  }
0x93: {  	s3 =	sld [smem:$0x3FFC];
	_ =	sdelay $0x3  }
0x94: {  	_ =	strace s3  }
0x95: {  	s3 =	sld [smem:$0x3FFD];
	_ =	sdelay $0x3  }
0x96: {  	_ =	strace s3  }
0x97: {  	_ =	strace $0x8FFFFFFF  }
0x98: {  	s19 =	sld [smem:$0x3FDB];
	_ =	sdelay $0x1  }
0x99: {  	s4 =	simm.s32 $_scs_section_size  }
0x9a: {  	s5 =	simm.s32 $_size__tile_overlayer_lowered;
	s6 =	simm.s32 $_tile_overlayer_lowered  }
0x9b: {  	s22 =	simm.s32 $0x1BFF;
	s21 =	sshll.u32 s6, $0x1;
	s3 =	sadd.s32 s4, s19  }
0x9c: {  	s7 =	simm.s32 $0x0;
	s20 =	sshll.u32 s5, $0x1;
	s5 =	sadd.s32 s21, s3  }
0x9d: {  	[timem:s7], [sflag:s22] =	dma.local [hbm:s5], s20  }
0x9e: {  	_ =	swait.ge [sflag:s22], s20  }
0x9f: {  	s4 =	ssub.s32 $0x0, s20;
	[sflag:s22] =	ssyncset.done $0x0  }
0xa0: {  	[sflag:s22] =	ssyncadd.s32 s4;
	_ =	sdelay $0x1  }
0xa1: {  	s23 =	simm.s32 $0x1B8B  }
0xa2: {  	_ =	swait.ge [sflag:s23], $0x1  }
0xa3: {  	[sflag:s23] =	ssyncset.done $0x0  }
0xa4: {  	s25 =	simm.s32 $0x1B8E;
	s24 =	sld [smem:$0x3FFE];
	[sflag:s23] =	ssyncadd.s32 $0xFFFFFFFF  }
0xa5: {  	s26 =	simm.s32 $execute0_lowered;
	[smem:$0x3FD2] =	sst s25  }
0xa6: {  	s5 =	sshll.u32 s26, $0x1;
	_ =	strace $0x80000046;
	[dreg:$0x1] =	wrdreg $0xFFFFFFFF  }
0xa7: {  	s28 =	simm.s32 $_size_execute0_lowered;
	s3 =	sadd.s32 s3, s5;
	[dreg:$0x0] =	wrdreg $0x0  }
0xa8: {  	s5 =	sshll.u32 s28, $0x1;
	[dreg:$0x2] =	wrdreg s3  }
0xa9: {  	[dreg:$0x3] =	wrdreg s5  }
0xaa: {  	[dreg:$0x4] =	wrdreg $0xC0  }
0xab: {  	_ =	task [dreg:s7], $0x5FFFF  }
0xac: {  	[dreg:$0x1] =	wrdreg $0xFFFFFFFF  }
0xad: {  	[dreg:$0x0] =	wrdreg $0x60  }
0xae: {  	[dreg:$0x2] =	wrdreg s2  }
0xaf: {  	[dreg:$0x3] =	wrdreg s24  }
0xb0: {  	[dreg:$0x4] =	wrdreg $0x9  }
0xb1: {  	_ =	task.clear_ibuf [dreg:s7], $0x5FFFF;
	_ =	strace $0x90000046  }
0xb2: {  	s29 =	simm.s32 $0x9;
	_ =	strace $0x80000048  }
0xb3: {  	_ =	swait.ge [sflag:s29], $0x1  }
0xb4: {  	[sflag:s29] =	ssyncadd.s32 $0xFFFFFFFF  }
0xb5: {  	_ =	strace $0x90000048  }
0xb6: {  	_ =	sfence  }
0xb7: {  	s30 =	sld [smem:$0x0];
	_ =	sdelay $0x2  }
0xb8: {  	s31 =	sshll.u32 s1, $0xD;
	s1 =	sshrl.u32 s1, $0x2  }
0xb9: {  	s3 =	sand.u32 $0x4000, s31;
	s1 =	sadd.s32 s1, s30  }
0xba: {  	s0 =	sor.u32 s3, s0;
	s1 =	sshll.u32 s1, $0x11  }
0xbb: {  	s0 =	sor.u32 s1, s0  }
0xbc: {  	s0 =	sadd.s32 $0x8F2B, s0  }
0xbd: {  	[sflag:s0] =	ssyncadd.remote.s32 $0x1  }
0xbe: {  	_ =	sfence.sel $0xFFFF  }
0xbf: {  	[dreg:$0x0] =	wrdreg $0xFFFFFFFF;
	(pc) =	sbr.abs _section_cstart, $3  }
0xc0: {  	[dreg:$0x1] =	wrdreg $0xFFFFFFFF  }
0xc1: {  	_ =	task.clear_ibuf [dreg:s7], $0x2FFFF;
	_ =	strace $0x9FFFFFFF  }
0xc2: {  	(tm) =	ssettm $0x7FFFFFFF  }
0xc3: {  	_ =	shalt  }
tec
execute0_lowered:
.L_overlay_start_1:
0x0: {  	(tag) =	ssettag $0x1  }
0x1: {  	s2 =	rddreg [dreg:$0x0]  }
0x2: {  	s4 =	rddreg [dreg:$0x1]  }
0x3: {  	s0 =	rddreg [dreg:$0x2]  }
0x4: {  	s3 =	simm.s32 $0x0;
	s1 =	stileid.u32;
	s5 =	srdreg.scid  }
0x5: {  	s9 =	simm.s32 $0x200;
	s10 =	simm.s32 $0x6000;
	s11 =	simm.s32 $0x1  }
0x6: {  	s12 =	simm.s32 $0x4000;
	s13 =	simm.s32 $0x0;
	[smem:$0x7FF] =	sst s3  }
0x7: {  	s6 =	sshll.u32 s1, $0x2;
	s5 =	sand.u32 $0x1, s5;
	s31 =	sshll.u32 s1, $0xB  }
0x8: {  	_ =	strace $0x80000047;
	s6 =	sand.u32 $0x30, s6;
	s7 =	ssub.s32 $0x2, s5  }
0x9: {  	s5 =	sshll.u32 s5, $0xA;
	s6 =	sadd.s32 s6, s4;
	s8 =	sshrl.u32 s7, $0x1  }
0xa: {  	s4 =	sadd.s32 $0xE00, s4;
	s5 =	sor.u32 s5, s31;
	s7 =	ssub.s32 s7, s8  }
0xb: {  	s6 =	sadd.s32 $0xC00, s6;
	s8 =	simm.s32 $0x80;
	s7 =	smax.u32 s7, $0x1  }
.LBB2_1:
0xc: {  	[tilespmem:s10], [sflag:$0x1] =	stream.strided.gather [hbm4b:s6+s8], $0x100, s9, s8, $0x38;
	[tilespmem:$0x6100] =	vst v63  }
0xd: {  	_ =	swait.ge [sflag:s11], $0x100  }
0xe: {  	[sflag:s11] =	ssyncset.done $0x0  }
0xf: {  	[sflag:s11] =	ssyncadd.s32 $0xFFFFFF00  }
0x10: {  	v0 =	vld [tilespmem:$0x6000]  }
0x11: {  	v1 =	vld [tilespmem:$0x6010]  }
0x12: {  	v2 =	vld [tilespmem:$0x6020]  }
0x13: {  	v3 =	vld [tilespmem:$0x6030]  }
0x14: {  	v4 =	vld [tilespmem:$0x6040]  }
0x15: {  	v5 =	vld [tilespmem:$0x6050];
	v0 =	vmul.f32 $1.000000000e+01, v0  }
0x16: {  	v6 =	vld [tilespmem:$0x6060];
	v1 =	vmul.f32 $1.000000000e+01, v1  }
0x17: {  	v42 =	vld [tilespmem:$0x6070];
	v41 =	vmul.f32 $1.000000000e+01, v2;
	[tilespmem:$0x6000] =	vst v0  }
0x18: {  	v44 =	vld [tilespmem:$0x6080];
	v43 =	vmul.f32 $1.000000000e+01, v3;
	[tilespmem:$0x6010] =	vst v1  }
0x19: {  	v46 =	vld [tilespmem:$0x6090];
	v45 =	vmul.f32 $1.000000000e+01, v4;
	[tilespmem:$0x6020] =	vst v41  }
0x1a: {  	v48 =	vld [tilespmem:$0x60A0];
	v47 =	vmul.f32 $1.000000000e+01, v5;
	[tilespmem:$0x6030] =	vst v43  }
0x1b: {  	v50 =	vld [tilespmem:$0x60B0];
	v49 =	vmul.f32 $1.000000000e+01, v6;
	[tilespmem:$0x6040] =	vst v45  }
0x1c: {  	v52 =	vld [tilespmem:$0x60C0];
	v51 =	vmul.f32 $1.000000000e+01, v42;
	[tilespmem:$0x6050] =	vst v47  }
0x1d: {  	v54 =	vld [tilespmem:$0x60D0];
	v53 =	vmul.f32 $1.000000000e+01, v44;
	[tilespmem:$0x6060] =	vst v49  }
0x1e: {  	v56 =	vld [tilespmem:$0x60E0];
	v55 =	vmul.f32 $1.000000000e+01, v46;
	[tilespmem:$0x6070] =	vst v51  }
0x1f: {  	v58 =	vld [tilespmem:$0x60F0];
	v57 =	vmul.f32 $1.000000000e+01, v48;
	[tilespmem:$0x6080] =	vst v53  }
0x20: {  	v59 =	vmul.f32 $1.000000000e+01, v50;
	[tilespmem:$0x6090] =	vst v55  }
0x21: {  	v60 =	vmul.f32 $1.000000000e+01, v52;
	[tilespmem:$0x60A0] =	vst v57  }
0x22: {  	v61 =	vmul.f32 $1.000000000e+01, v54;
	[tilespmem:$0x60B0] =	vst v59  }
0x23: {  	v62 =	vmul.f32 $1.000000000e+01, v56;
	[tilespmem:$0x60C0] =	vst v60  }
0x24: {  	v63 =	vmul.f32 $1.000000000e+01, v58;
	[tilespmem:$0x60D0] =	vst v61  }
0x25: {  	[tilespmem:$0x60E0] =	vst v62  }
0x26: {  	s14 =	simm.s32 $0x0;
	[tilespmem:$0x60F0] =	vst v63  }
.LBB2_2:
0x27: {  	s15 =	sshll.u32 s14, $0x6  }
0x28: {  	s15 =	sadd.s32 s5, s15  }
0x29: {  	s16 =	sshll.u32 s15, $0x5  }
0x2a: {  	s17 =	sadd.s32 s2, s16;
	s16 =	simm.s32 $0x0  }
0x2b: {  	[tilespmem:s16], [sflag:$0x1] =	stream.linear.gather [hbm4b:s17+s16], $0x4000, $0x38;
	[tilespmem:$0x6100] =	vst v63  }
0x2c: {  	_ =	swait.ge [sflag:s11], $0x4000  }
0x2d: {  	s31 =	simm.s32 $0x0;
	[sflag:s11] =	ssyncset.done $0x0  }
0x2e: {  	s18 =	sand.u32 $0x3800, s16;
	s17 =	sand.u32 $0x300, s31;
	[sflag:s11] =	ssyncadd.s32 $0xFFFFC000  }
0x2f: {  	s17 =	sor.u32 s17, s18;
	v0 =	vld [tilespmem:$0x6010]  }
0x30: {  	v1 =	vld [tilespmem:s17+$0x0]  }
0x31: {  	v2 =	vld [tilespmem:$0x6000]  }
0x32: {  	v3 =	vld [tilespmem:s17+$0x70]  }
0x33: {  	v4 =	vld [tilespmem:s17+$0x10]  }
0x34: {  	v5 =	vld [tilespmem:s17+$0x20]  }
0x35: {  	v6 =	vld [tilespmem:$0x6020]  }
0x36: {  	v7 =	vld [tilespmem:s17+$0x30];
	v1 =	vmul.f32 $1.000000000e+01, v1  }
0x37: {  	v8 =	vld [tilespmem:s17+$0x40]  }
0x38: {  	v9 =	vld [tilespmem:$0x6040];
	v1 =	vsub.f32 v2, v1  }
0x39: {  	v44 =	vld [tilespmem:s17+$0x50]  }
0x3a: {  	v10 =	vld [tilespmem:$0x6070];
	v1 =	vmin.f32 v1, $8.000000000e+01  }
0x3b: {  	v4 =	vmul.f32 $1.000000000e+01, v4;
	v2 =	vld [tilespmem:$0x6030];
	v1 =	vmul.f32 $1.442695020e+00, v1  }
0x3c: {  	v46 =	vld [tilespmem:$0x6050];
	v5 =	vmul.f32 $1.000000000e+01, v5  }
0x3d: {  	v3 =	vmul.f32 $1.000000000e+01, v3;
	v0 =	vsub.f32 v0, v4;
	(erf) = vpow2.f32 v1  }
0x3e: {  	v45 =	vmul.f32 $1.000000000e+01, v7;
	v47 =	vmul.f32 $1.000000000e+01, v8;
	v5 =	vsub.f32 v6, v5  }
0x3f: {  	v4 =	vmul.f32 $1.000000000e+01, v44;
	v3 =	vsub.f32 v10, v3;
	v0 =	vmin.f32 v0, $8.000000000e+01  }
0x40: {  	v5 =	vmin.f32 v5, $8.000000000e+01;
	v0 =	vmul.f32 $1.442695020e+00, v0;
	v1 =	vld [tilespmem:s17+$0x60];
	v2 =	vsub.f32 v2, v45  }
0x41: {  	v6 =	vsub.f32 v9, v47;
	v4 =	vsub.f32 v46, v4;
	v5 =	vmul.f32 $1.442695020e+00, v5  }
0x42: {  	v48 =	vld [tilespmem:$0x6060];
	v3 =	vmin.f32 v3, $8.000000000e+01;
	(erf) = vpow2.f32 v0;
	v2 =	vmin.f32 v2, $8.000000000e+01  }
0x43: {  	(erf) = vpow2.f32 v5;
	v0 =	vmul.f32 $1.442695020e+00, v2;
	v2 =	vmin.f32 v6, $8.000000000e+01  }
0x44: {  	v3 =	vmul.f32 $1.442695020e+00, v3;
	v2 =	vmul.f32 $1.442695020e+00, v2  }
0x45: {  	v49 =	vld [tilespmem:s17+$0x400];
	v1 =	vmul.f32 $1.000000000e+01, v1;
	(erf) = vpow2.f32 v0;
	v0 =	vmin.f32 v4, $8.000000000e+01  }
0x46: {  	v0 =	vmul.f32 $1.442695020e+00, v0;
	(erf) = vpow2.f32 v2;
	v2 =	vld [tilespmem:s17+$0x410];
	v51 =	vpop (erf)  }
0x47: {  	v50 =	vld [tilespmem:$0x6080];
	v1 =	vsub.f32 v48, v1;
	(erf) = vpow2.f32 v3;
	v3 =	vadd.f32 $1.000000000e+00, v51;
	_ =	sdelay $0x1  }
0x48: {  	(erf) = vpow2.f32 v0;
	v1 =	vmin.f32 v1, $8.000000000e+01  }
0x49: {  	v52 =	vld [tilespmem:$0x6090];
	v0 =	vmul.f32 $1.000000000e+01, v49;
	v1 =	vmul.f32 $1.442695020e+00, v1  }
0x4a: {  	v53 =	vld [tilespmem:s17+$0x420];
	v2 =	vmul.f32 $1.000000000e+01, v2;
	(erf) = vrcp.f32 v3;
	v3 =	vpop (erf)  }
0x4b: {  	v0 =	vsub.f32 v50, v0;
	(erf) = vpow2.f32 v1;
	v1 =	vadd.f32 $1.000000000e+00, v3;
	v3 =	vpop (erf)  }
0x4c: {  	v55 =	vld [tilespmem:$0x60A0];
	v3 =	vadd.f32 $1.000000000e+00, v3  }
0x4d: {  	v0 =	vmin.f32 v0, $8.000000000e+01  }
0x4e: {  	v54 =	vld [tilespmem:s17+$0x430];
	v0 =	vmul.f32 $1.442695020e+00, v0;
	(erf) = vrcp.f32 v1;
	v1 =	vsub.f32 v52, v2;
	v2 =	vpop (erf)  }
0x4f: {  	v6 =	vmul.f32 $1.000000000e+01, v53;
	v2 =	vadd.f32 $1.000000000e+00, v2;
	(erf) = vrcp.f32 v3  }
0x50: {  	v56 =	vld [tilespmem:$0x60B0];
	v3 =	vpop (erf);
	(erf) = vpow2.f32 v0  }
0x51: {  	(erf) = vrcp.f32 v2;
	v2 =	vsub.f32 v55, v6  }
0x52: {  	v1 =	vmin.f32 v1, $8.000000000e+01  }
0x53: {  	v57 =	vld [tilespmem:s17+$0x440];
	v0 =	vmul.f32 $1.000000000e+01, v54;
	v58 =	vpop (erf);
	v3 =	vadd.f32 $1.000000000e+00, v3;
	v2 =	vmin.f32 v2, $8.000000000e+01  }
0x54: {  	v1 =	vmul.f32 $1.442695020e+00, v1;
	v59 =	vpop (erf)  }
0x55: {  	v60 =	vld [tilespmem:$0x60C0];
	v0 =	vsub.f32 v56, v0;
	(erf) = vrcp.f32 v3;
	v61 =	vpop (erf)  }
0x56: {  	v62 =	vld [tilespmem:s17+$0x450];
	v6 =	vadd.f32 $1.000000000e+00, v59;
	(erf) = vpow2.f32 v1;
	v1 =	vmul.f32 $1.442695020e+00, v2;
	v2 =	vpop (erf)  }
0x57: {  	v63 =	vld [tilespmem:$0x60D0];
	v2 =	vadd.f32 $1.000000000e+00, v2  }
0x58: {  	v12 =	vld [tilespmem:s17+$0x460];
	v3 =	vmul.f32 $1.000000000e+01, v57;
	v0 =	vmin.f32 v0, $8.000000000e+01;
	(erf) = vrcp.f32 v6  }
0x59: {  	v0 =	vmul.f32 $1.442695020e+00, v0;
	(erf) = vpow2.f32 v1  }
0x5a: {  	v1 =	vsub.f32 v60, v3;
	v3 =	vld [tilespmem:$0x60E0];
	(erf) = vrcp.f32 v2  }
0x5b: {  	v13 =	vld [tilespmem:s17+$0x470];
	v2 =	vpop (erf);
	(erf) = vpow2.f32 v0;
	v0 =	vmul.f32 $1.000000000e+01, v62  }
0x5c: {  	v4 =	vadd.f32 $1.000000000e+00, v58;
	v1 =	vmin.f32 v1, $8.000000000e+01;
	v14 =	vpop (erf)  }
0x5d: {  	v11 =	vld [tilespmem:$0x60F0];
	v6 =	vmul.f32 $1.000000000e+01, v12;
	v1 =	vmul.f32 $1.442695020e+00, v1;
	v15 =	vpop (erf);
	v0 =	vsub.f32 v63, v0  }
0x5e: {  	v5 =	vadd.f32 $0.0e+00, v61;
	v16 =	vpop (erf);
	v10 =	vadd.f32 $1.000000000e+00, v15;
	(erf) = vrcp.f32 v4  }
0x5f: {  	v17 =	vpop (erf);
	(erf) = vpow2.f32 v1;
	v0 =	vmin.f32 v0, $8.000000000e+01;
	v1 =	vsub.f32 v3, v6  }
0x60: {  	v18 =	vmul.f32 $1.000000000e+01, v13;
	v3 =	vpop (erf);
	v0 =	vmul.f32 $1.442695020e+00, v0  }
0x61: {  	v2 =	vadd.f32 v2, v5;
	v19 =	vpop (erf);
	(erf) = vrcp.f32 v10;
	v1 =	vmin.f32 v1, $8.000000000e+01  }
0x62: {  	(erf) = vpow2.f32 v0;
	v0 =	vmul.f32 $1.442695020e+00, v1;
	v1 =	vsub.f32 v11, v18  }
0x63: {  	v3 =	vadd.f32 $1.000000000e+00, v3;
	v20 =	vpop (erf)  }
0x64: {  	v2 =	vadd.f32 v14, v2;
	v21 =	vpop (erf);
	v1 =	vmin.f32 v1, $8.000000000e+01  }
0x65: {  	(erf) = vrcp.f32 v3;
	v3 =	vadd.f32 $1.000000000e+00, v20;
	v22 =	vpop (erf);
	v1 =	vmul.f32 $1.442695020e+00, v1  }
0x66: {  	v2 =	vadd.f32 v16, v2;
	(erf) = vpow2.f32 v0;
	v0 =	vadd.f32 $1.000000000e+00, v22  }
0x67: {  	(erf) = vrcp.f32 v3  }
0x68: {  	(erf) = vrcp.f32 v0  }
0x69: {  	v0 =	vadd.f32 v17, v2;
	(erf) = vpow2.f32 v1;
	v1 =	vpop (erf)  }
0x6a: {  	v2 =	vpop (erf)  }
0x6b: {  	v0 =	vadd.f32 v19, v0;
	v2 =	vadd.f32 $1.000000000e+00, v2  }
0x6c: {  	v3 =	vpop (erf)  }
0x6d: {  	v0 =	vadd.f32 v21, v0;
	v23 =	vpop (erf)  }
0x6e: {  	v24 =	vpop (erf)  }
0x6f: {  	v0 =	vadd.f32 v1, v0;
	(erf) = vrcp.f32 v2;
	v1 =	vadd.f32 $1.000000000e+00, v23;
	v2 =	vpop (erf)  }
0x70: {  	v25 =	vpop (erf)  }
0x71: {  	v0 =	vadd.f32 v3, v0;
	(erf) = vrcp.f32 v1;
	v1 =	vadd.f32 $1.000000000e+00, v2;
	v2 =	vpop (erf)  }
0x72: {  	v3 =	vpop (erf)  }
0x73: {  	v0 =	vadd.f32 v24, v0;
	(erf) = vrcp.f32 v1;
	v1 =	vadd.f32 $1.000000000e+00, v3;
	_ =	sdelay $0x1  }
0x74: {  	v0 =	vadd.f32 v25, v0;
	(erf) = vrcp.f32 v1;
	_ =	sdelay $0x1  }
0x75: {  	v0 =	vadd.f32 v2, v0  }
0x76: {  	v1 =	vpop (erf)  }
0x77: {  	v0 =	vadd.f32 v1, v0  }
0x78: {  	v1 =	vpop (erf)  }
0x79: {  	v0 =	vadd.f32 v1, v0  }
0x7a: {  	v1 =	vpop (erf)  }
0x7b: {  	v0 =	vadd.f32 v1, v0  }
0x7c: {  	v1 =	vpop (erf)  }
0x7d: {  	v0 =	vadd.f32 v1, v0;
	_ =	sdelay $0x1  }
0x7e: {  	s19 =	simm.s32 $0x80;
	v0 =	vmul.f32 $7.812500000e-03, v0  }
0x7f: {  	s19 =	sand.u32 $0x380, s19;
	s17 =	simm.s32 $0x4080  }
0x80: {  	s18 =	sor.u32 s19, s18;
	[tilespmem:s17+$0xFFFFFF80] =	vst v0  }
0x81: {  	v0 =	vld [tilespmem:s18+$0x30]  }
0x82: {  	v1 =	vld [tilespmem:s18+$0x10]  }
0x83: {  	v2 =	vld [tilespmem:$0x6030]  }
0x84: {  	v3 =	vld [tilespmem:$0x6010]  }
0x85: {  	v26 =	vld [tilespmem:s18+$0x20]  }
0x86: {  	v27 =	vld [tilespmem:s18+$0x0]  }
0x87: {  	v28 =	vld [tilespmem:$0x6020]  }
0x88: {  	v29 =	vld [tilespmem:$0x6000];
	v0 =	vmul.f32 $1.000000000e+01, v0  }
0x89: {  	v1 =	vmul.f32 $1.000000000e+01, v1  }
0x8a: {  	v0 =	vsub.f32 v2, v0;
	v2 =	vmul.f32 $1.000000000e+01, v26  }
0x8b: {  	v1 =	vsub.f32 v3, v1;
	v3 =	vmul.f32 $1.000000000e+01, v27  }
0x8c: {  	v0 =	vmin.f32 v0, $8.000000000e+01;
	v2 =	vsub.f32 v28, v2  }
0x8d: {  	v1 =	vmin.f32 v1, $8.000000000e+01;
	v3 =	vsub.f32 v29, v3;
	v0 =	vmul.f32 $1.442695020e+00, v0  }
0x8e: {  	v30 =	vld [tilespmem:s18+$0x40];
	v1 =	vmul.f32 $1.442695020e+00, v1;
	v2 =	vmin.f32 v2, $8.000000000e+01  }
0x8f: {  	v31 =	vld [tilespmem:$0x6050];
	(erf) = vpow2.f32 v0;
	v0 =	vmin.f32 v3, $8.000000000e+01;
	v2 =	vmul.f32 $1.442695020e+00, v2  }
0x90: {  	v3 =	vld [tilespmem:s18+$0x50];
	(erf) = vpow2.f32 v1;
	v0 =	vmul.f32 $1.442695020e+00, v0  }
0x91: {  	v1 =	vld [tilespmem:$0x6040];
	(erf) = vpow2.f32 v2  }
0x92: {  	v2 =	vld [tilespmem:s18+$0x60];
	(erf) = vpow2.f32 v0;
	_ =	sdelay $0x1  }
0x93: {  	v32 =	vld [tilespmem:$0x6060];
	v0 =	vmul.f32 $1.000000000e+01, v30  }
0x94: {  	v33 =	vld [tilespmem:s18+$0x400];
	v3 =	vmul.f32 $1.000000000e+01, v3  }
0x95: {  	v0 =	vsub.f32 v1, v0;
	v1 =	vld [tilespmem:s18+$0x70]  }
0x96: {  	v34 =	vld [tilespmem:$0x6070];
	v3 =	vsub.f32 v31, v3;
	v2 =	vmul.f32 $1.000000000e+01, v2  }
0x97: {  	v36 =	vld [tilespmem:$0x6080];
	v0 =	vmin.f32 v0, $8.000000000e+01;
	v35 =	vpop (erf)  }
0x98: {  	v0 =	vmul.f32 $1.442695020e+00, v0;
	v3 =	vmin.f32 v3, $8.000000000e+01;
	v2 =	vsub.f32 v32, v2;
	v37 =	vpop (erf)  }
0x99: {  	v5 =	vmul.f32 $1.000000000e+01, v33;
	v3 =	vmul.f32 $1.442695020e+00, v3;
	v9 =	vadd.f32 $1.000000000e+00, v37;
	v39 =	vpop (erf)  }
0x9a: {  	v38 =	vld [tilespmem:s18+$0x410];
	v1 =	vmul.f32 $1.000000000e+01, v1;
	(erf) = vpow2.f32 v0;
	v2 =	vmin.f32 v2, $8.000000000e+01;
	v40 =	vpop (erf)  }
0x9b: {  	v2 =	vmul.f32 $1.442695020e+00, v2;
	(erf) = vrcp.f32 v9;
	v42 =	vadd.f32 $1.000000000e+00, v40  }
0x9c: {  	v43 =	vld [tilespmem:$0x6090];
	v1 =	vsub.f32 v34, v1;
	(erf) = vpow2.f32 v3;
	v3 =	vsub.f32 v36, v5  }
0x9d: {  	v41 =	vld [tilespmem:s18+$0x420];
	v0 =	vadd.f32 $1.000000000e+00, v39;
	(erf) = vrcp.f32 v42  }
0x9e: {  	v1 =	vmin.f32 v1, $8.000000000e+01;
	(erf) = vpow2.f32 v2;
	v2 =	vmin.f32 v3, $8.000000000e+01;
	v3 =	vld [tilespmem:s18+$0x430]  }
0x9f: {  	v44 =	vld [tilespmem:$0x60A0];
	v4 =	vmul.f32 $1.000000000e+01, v38;
	v1 =	vmul.f32 $1.442695020e+00, v1  }
0xa0: {  	v45 =	vld [tilespmem:$0x60B0];
	v2 =	vmul.f32 $1.442695020e+00, v2;
	(erf) = vrcp.f32 v0  }
0xa1: {  	v4 =	vsub.f32 v43, v4;
	v0 =	vld [tilespmem:s18+$0x440];
	(erf) = vpow2.f32 v1  }
0xa2: {  	v1 =	vmul.f32 $1.000000000e+01, v41;
	(erf) = vpow2.f32 v2;
	v2 =	vadd.f32 $1.000000000e+00, v35  }
0xa3: {  	v46 =	vld [tilespmem:$0x60C0];
	v4 =	vmin.f32 v4, $8.000000000e+01;
	v3 =	vmul.f32 $1.000000000e+01, v3  }
0xa4: {  	v1 =	vsub.f32 v44, v1;
	v47 =	vpop (erf);
	(erf) = vrcp.f32 v2;
	v2 =	vmul.f32 $1.442695020e+00, v4  }
0xa5: {  	v5 =	vadd.f32 $1.000000000e+00, v47;
	v48 =	vpop (erf)  }
0xa6: {  	v1 =	vmin.f32 v1, $8.000000000e+01;
	v0 =	vmul.f32 $1.000000000e+01, v0;
	v49 =	vpop (erf);
	v3 =	vsub.f32 v45, v3  }
0xa7: {  	(erf) = vrcp.f32 v5;
	v1 =	vmul.f32 $1.442695020e+00, v1;
	v4 =	vadd.f32 $1.000000000e+00, v49;
	v50 =	vpop (erf)  }
0xa8: {  	v51 =	vld [tilespmem:s18+$0x460];
	v0 =	vsub.f32 v46, v0;
	(erf) = vpow2.f32 v2;
	v2 =	vpop (erf);
	v3 =	vmin.f32 v3, $8.000000000e+01  }
0xa9: {  	v5 =	vadd.f32 $0.0e+00, v50;
	(erf) = vrcp.f32 v4;
	v2 =	vadd.f32 $1.000000000e+00, v2  }
0xaa: {  	v54 =	vld [tilespmem:$0x60E0];
	v3 =	vmul.f32 $1.442695020e+00, v3;
	v0 =	vmin.f32 v0, $8.000000000e+01;
	(erf) = vpow2.f32 v1  }
0xab: {  	v53 =	vld [tilespmem:s18+$0x450];
	v52 =	vpop (erf);
	v0 =	vmul.f32 $1.442695020e+00, v0;
	(erf) = vrcp.f32 v2  }
0xac: {  	v1 =	vpop (erf);
	(erf) = vpow2.f32 v3;
	v3 =	vadd.f32 v48, v5  }
0xad: {  	v55 =	vld [tilespmem:$0x60D0];
	v1 =	vadd.f32 $1.000000000e+00, v1;
	v2 =	vpop (erf);
	(erf) = vpow2.f32 v0;
	v0 =	vmul.f32 $1.000000000e+01, v51  }
0xae: {  	v56 =	vld [tilespmem:s18+$0x470];
	v2 =	vadd.f32 $1.000000000e+00, v2;
	v3 =	vadd.f32 v52, v3  }
0xaf: {  	v57 =	vpop (erf);
	v0 =	vsub.f32 v54, v0  }
0xb0: {  	v58 =	vld [tilespmem:$0x60F0];
	(erf) = vrcp.f32 v2;
	v2 =	vmul.f32 $1.000000000e+01, v53;
	v3 =	vadd.f32 v57, v3  }
0xb1: {  	(erf) = vrcp.f32 v1;
	v1 =	vpop (erf);
	v0 =	vmin.f32 v0, $8.000000000e+01  }
0xb2: {  	v2 =	vsub.f32 v55, v2;
	v59 =	vpop (erf);
	v0 =	vmul.f32 $1.442695020e+00, v0  }
0xb3: {  	v5 =	vmul.f32 $1.000000000e+01, v56;
	v4 =	vadd.f32 $1.000000000e+00, v59;
	v60 =	vpop (erf)  }
0xb4: {  	v1 =	vadd.f32 v1, v3;
	v2 =	vmin.f32 v2, $8.000000000e+01;
	v3 =	vpop (erf)  }
0xb5: {  	v61 =	vsub.f32 v58, v5;
	v2 =	vmul.f32 $1.442695020e+00, v2;
	(erf) = vrcp.f32 v4;
	v62 =	vpop (erf)  }
0xb6: {  	v3 =	vadd.f32 $1.000000000e+00, v3;
	(erf) = vpow2.f32 v0;
	v0 =	vpop (erf)  }
0xb7: {  	(erf) = vpow2.f32 v2;
	v2 =	vadd.f32 $1.000000000e+00, v0;
	v0 =	vmin.f32 v61, $8.000000000e+01  }
0xb8: {  	v1 =	vadd.f32 v60, v1;
	(erf) = vrcp.f32 v3  }
0xb9: {  	v63 =	vpop (erf);
	v3 =	vmul.f32 $1.442695020e+00, v0  }
0xba: {  	v5 =	vadd.f32 v62, v1;
	(erf) = vrcp.f32 v2;
	v0 =	vpop (erf)  }
0xbb: {  	(erf) = vpow2.f32 v3;
	v2 =	vpop (erf)  }
0xbc: {  	s19 =	simm.s32 $0x180;
	s18 =	simm.s32 $0x4080;
	v1 =	vadd.f32 $1.000000000e+00, v63;
	v2 =	vadd.f32 v2, v5  }
.LBB2_3:
0xbd: {  	_ = 	snop  }
0xbe: {  	p0 =	sne.s32 s19, $0x1F80;
	s17 =	sadd.s32 $0x100, s17;
	s16 =	sadd.s32 $0x200, s16;
	v3 =	vpop (erf)  }
0xbf: {  	s20 =	smov.u32 s19;
	s19 =	sadd.s32 $0x100, s19;
	v4 =	vpop (erf)  }
0xc0: {  	v4 =	vadd.f32 $1.000000000e+00, v4;
	v5 =	vpop (erf)  }
0xc1: {  	v5 =	vadd.f32 $1.000000000e+00, v5;
	v6 =	vpop (erf);
	(erf) = vrcp.f32 v1  }
0xc2: {  	(erf) = vrcp.f32 v4  }
0xc3: {  	v0 =	vadd.f32 v0, v2;
	v1 =	vpop (erf);
	(erf) = vrcp.f32 v5  }
0xc4: {  	v2 =	vpop (erf)  }
0xc5: {  	v0 =	vadd.f32 v3, v0;
	v2 =	vadd.f32 $1.000000000e+00, v2;
	_ =	sdelay $0x1  }
0xc6: {  	v0 =	vadd.f32 v6, v0;
	(erf) = vrcp.f32 v2;
	_ =	sdelay $0x1  }
0xc7: {  	v0 =	vadd.f32 v1, v0  }
0xc8: {  	v1 =	vpop (erf)  }
0xc9: {  	v0 =	vadd.f32 v1, v0;
	v1 =	vpop (erf)  }
0xca: {  	v2 =	vpop (erf)  }
0xcb: {  	v0 =	vadd.f32 v2, v0;
	_ =	sdelay $0x1  }
0xcc: {  	v0 =	vadd.f32 v1, v0  }
0xcd: {  	v1 =	vpop (erf)  }
0xce: {  	v0 =	vadd.f32 v1, v0;
	_ =	sdelay $0x1  }
0xcf: {  	v0 =	vmul.f32 $7.812500000e-03, v0;
	_ =	sdelay $0x1  }
0xd0: {  	[tilespmem:s18+$0x0] =	vst v0;
	s18 =	smov.u32 s17  }
0xd1: {  	s22 =	sadd.s32 $0xFFFFFF80, s20  }
0xd2: {  	s21 =	sand.u32 $0x3800, s16;
	s22 =	sand.u32 $0x300, s22;
	v0 =	vld [tilespmem:$0x6010]  }
0xd3: {  	s22 =	sor.u32 s22, s21;
	v1 =	vld [tilespmem:$0x6000]  }
0xd4: {  	v2 =	vld [tilespmem:s22+$0x0]  }
0xd5: {  	v3 =	vld [tilespmem:s22+$0x70]  }
0xd6: {  	v4 =	vld [tilespmem:s22+$0x10]  }
0xd7: {  	v5 =	vld [tilespmem:$0x6070]  }
0xd8: {  	v6 =	vld [tilespmem:s22+$0x20]  }
0xd9: {  	v2 =	vmul.f32 $1.000000000e+01, v2;
	v7 =	vld [tilespmem:$0x6020]  }
0xda: {  	v8 =	vld [tilespmem:s22+$0x30];
	v3 =	vmul.f32 $1.000000000e+01, v3  }
0xdb: {  	v1 =	vsub.f32 v1, v2;
	v2 =	vmul.f32 $1.000000000e+01, v4;
	v4 =	vld [tilespmem:$0x6030]  }
0xdc: {  	v9 =	vld [tilespmem:s22+$0x40];
	v3 =	vsub.f32 v5, v3  }
0xdd: {  	v1 =	vmin.f32 v1, $8.000000000e+01;
	v0 =	vsub.f32 v0, v2;
	v2 =	vmul.f32 $1.000000000e+01, v6;
	v5 =	vld [tilespmem:$0x6040]  }
0xde: {  	v1 =	vmul.f32 $1.442695020e+00, v1;
	v6 =	vld [tilespmem:s22+$0x50];
	v3 =	vmin.f32 v3, $8.000000000e+01  }
0xdf: {  	v0 =	vmin.f32 v0, $8.000000000e+01;
	v2 =	vsub.f32 v7, v2;
	v7 =	vmul.f32 $1.000000000e+01, v8;
	v8 =	vld [tilespmem:$0x6050]  }
0xe0: {  	v0 =	vmul.f32 $1.442695020e+00, v0;
	v10 =	vld [tilespmem:s22+$0x60];
	(erf) = vpow2.f32 v1  }
0xe1: {  	v1 =	vmin.f32 v2, $8.000000000e+01;
	v2 =	vsub.f32 v4, v7;
	v4 =	vmul.f32 $1.000000000e+01, v9  }
0xe2: {  	v1 =	vmul.f32 $1.442695020e+00, v1;
	v7 =	vld [tilespmem:$0x6060];
	(erf) = vpow2.f32 v0  }
0xe3: {  	v0 =	vmin.f32 v2, $8.000000000e+01;
	v2 =	vsub.f32 v5, v4;
	v4 =	vmul.f32 $1.000000000e+01, v6  }
0xe4: {  	v0 =	vmul.f32 $1.442695020e+00, v0;
	(erf) = vpow2.f32 v1  }
0xe5: {  	v1 =	vmin.f32 v2, $8.000000000e+01;
	v2 =	vsub.f32 v8, v4;
	v4 =	vmul.f32 $1.000000000e+01, v10;
	v5 =	vld [tilespmem:s22+$0x400]  }
0xe6: {  	v1 =	vmul.f32 $1.442695020e+00, v1;
	v6 =	vld [tilespmem:$0x6080];
	(erf) = vpow2.f32 v0  }
0xe7: {  	v3 =	vmul.f32 $1.442695020e+00, v3;
	v0 =	vmin.f32 v2, $8.000000000e+01;
	v7 =	vsub.f32 v7, v4;
	v4 =	vld [tilespmem:s22+$0x410]  }
0xe8: {  	v0 =	vmul.f32 $1.442695020e+00, v0;
	(erf) = vpow2.f32 v1  }
0xe9: {  	v1 =	vmin.f32 v7, $8.000000000e+01;
	v2 =	vpop (erf);
	(erf) = vpow2.f32 v3  }
0xea: {  	v2 =	vadd.f32 $1.000000000e+00, v2;
	v3 =	vmul.f32 $1.000000000e+01, v5;
	v5 =	vld [tilespmem:$0x6090];
	(erf) = vpow2.f32 v0  }
0xeb: {  	v0 =	vmul.f32 $1.442695020e+00, v1;
	v1 =	vld [tilespmem:s22+$0x420];
	v7 =	vpop (erf)  }
0xec: {  	v8 =	vadd.f32 $1.000000000e+00, v7;
	v3 =	vsub.f32 v6, v3;
	(erf) = vrcp.f32 v2  }
0xed: {  	v2 =	vmul.f32 $1.000000000e+01, v4;
	v4 =	vld [tilespmem:s22+$0x430];
	v6 =	vpop (erf);
	(erf) = vpow2.f32 v0  }
0xee: {  	v0 =	vadd.f32 $1.000000000e+00, v6;
	v3 =	vmin.f32 v3, $8.000000000e+01;
	v6 =	vld [tilespmem:$0x60A0];
	(erf) = vrcp.f32 v8  }
0xef: {  	v3 =	vmul.f32 $1.442695020e+00, v3;
	v2 =	vsub.f32 v5, v2;
	v5 =	vld [tilespmem:$0x60B0];
	v7 =	vpop (erf)  }
0xf0: {  	v10 =	vadd.f32 $1.000000000e+00, v7;
	v1 =	vmul.f32 $1.000000000e+01, v1;
	v8 =	vld [tilespmem:s22+$0x440];
	(erf) = vrcp.f32 v0  }
0xf1: {  	v0 =	vmin.f32 v2, $8.000000000e+01;
	v2 =	vld [tilespmem:$0x60C0];
	v9 =	vpop (erf);
	(erf) = vpow2.f32 v3  }
0xf2: {  	v3 =	vadd.f32 $1.000000000e+00, v9;
	v4 =	vmul.f32 $1.000000000e+01, v4;
	v9 =	vld [tilespmem:s22+$0x450];
	(erf) = vrcp.f32 v10;
	v7 =	vpop (erf)  }
0xf3: {  	v0 =	vmul.f32 $1.442695020e+00, v0;
	v7 =	vadd.f32 $1.000000000e+00, v7;
	v1 =	vsub.f32 v6, v1;
	v6 =	vpop (erf)  }
0xf4: {  	v10 =	vadd.f32 $1.000000000e+00, v6;
	v4 =	vsub.f32 v5, v4;
	(erf) = vrcp.f32 v3  }
0xf5: {  	v1 =	vmin.f32 v1, $8.000000000e+01;
	v11 =	vmul.f32 $1.000000000e+01, v8;
	v5 =	vld [tilespmem:$0x60D0];
	v8 =	vpop (erf);
	(erf) = vpow2.f32 v0  }
0xf6: {  	v0 =	vadd.f32 $0.0e+00, v8;
	v1 =	vmul.f32 $1.442695020e+00, v1;
	v8 =	vld [tilespmem:s22+$0x460];
	(erf) = vrcp.f32 v10;
	v6 =	vpop (erf)  }
0xf7: {  	v4 =	vmin.f32 v4, $8.000000000e+01;
	v12 =	vadd.f32 $1.000000000e+00, v6;
	v2 =	vsub.f32 v2, v11;
	v3 =	vpop (erf)  }
0xf8: {  	v0 =	vadd.f32 v3, v0;
	v3 =	vmul.f32 $1.442695020e+00, v4;
	v4 =	vld [tilespmem:$0x60E0];
	(erf) = vpow2.f32 v1  }
0xf9: {  	v1 =	vmin.f32 v2, $8.000000000e+01;
	v2 =	vmul.f32 $1.000000000e+01, v9;
	v9 =	vld [tilespmem:s22+$0x470];
	v10 =	vpop (erf);
	(erf) = vrcp.f32 v12  }
0xfa: {  	v0 =	vadd.f32 v10, v0;
	v1 =	vmul.f32 $1.442695020e+00, v1;
	v6 =	vpop (erf);
	(erf) = vpow2.f32 v3  }
0xfb: {  	v11 =	vadd.f32 $1.000000000e+00, v6;
	v10 =	vsub.f32 v5, v2;
	v5 =	vpop (erf);
	(erf) = vrcp.f32 v7  }
0xfc: {  	v7 =	vmul.f32 $1.000000000e+01, v8;
	v0 =	vadd.f32 v5, v0;
	v6 =	vld [tilespmem:$0x60F0];
	(erf) = vpow2.f32 v1  }
0xfd: {  	v1 =	vmin.f32 v10, $8.000000000e+01;
	v2 =	vpop (erf);
	(erf) = vrcp.f32 v11  }
0xfe: {  	v0 =	vadd.f32 v2, v0;
	v1 =	vmul.f32 $1.442695020e+00, v1;
	v2 =	vsub.f32 v4, v7;
	v3 =	vpop (erf)  }
0xff: {  	v8 =	vmul.f32 $1.000000000e+01, v9;
	v7 =	vadd.f32 $1.000000000e+00, v3;
	v5 =	vpop (erf)  }
0x100: {  	v0 =	vadd.f32 v5, v0;
	v2 =	vmin.f32 v2, $8.000000000e+01;
	(erf) = vpow2.f32 v1  }
0x101: {  	v1 =	vmul.f32 $1.442695020e+00, v2;
	v2 =	vsub.f32 v6, v8;
	(erf) = vrcp.f32 v7;
	v3 =	vpop (erf)  }
0x102: {  	v5 =	vadd.f32 $1.000000000e+00, v3;
	v4 =	vpop (erf)  }
0x103: {  	v0 =	vadd.f32 v4, v0;
	v2 =	vmin.f32 v2, $8.000000000e+01;
	v4 =	vpop (erf);
	(erf) = vpow2.f32 v1  }
0x104: {  	v1 =	vadd.f32 $1.000000000e+00, v4;
	v2 =	vmul.f32 $1.442695020e+00, v2;
	v4 =	vpop (erf);
	(erf) = vrcp.f32 v5  }
0x105: {  	v0 =	vadd.f32 v4, v0;
	v3 =	vpop (erf)  }
0x106: {  	v3 =	vadd.f32 $1.000000000e+00, v3;
	v4 =	vpop (erf);
	(erf) = vrcp.f32 v1  }
0x107: {  	v0 =	vadd.f32 v4, v0;
	(erf) = vpow2.f32 v2  }
0x108: {  	(erf) = vrcp.f32 v3  }
0x109: {  	v1 =	vpop (erf)  }
0x10a: {  	v3 =	vadd.f32 $1.000000000e+00, v1;
	v2 =	vpop (erf)  }
0x10b: {  	v0 =	vadd.f32 v2, v0  }
0x10c: {  	(erf) = vrcp.f32 v3;
	v1 =	vpop (erf)  }
0x10d: {  	v3 =	vadd.f32 $1.000000000e+00, v1;
	v2 =	vpop (erf)  }
0x10e: {  	v0 =	vadd.f32 v2, v0  }
0x10f: {  	v2 =	vpop (erf);
	(erf) = vrcp.f32 v3  }
0x110: {  	v0 =	vadd.f32 v2, v0;
	v1 =	vpop (erf)  }
0x111: {  	v1 =	vadd.f32 $1.000000000e+00, v1;
	v2 =	vpop (erf)  }
0x112: {  	v0 =	vadd.f32 v2, v0  }
0x113: {  	(erf) = vrcp.f32 v1;
	_ =	sdelay $0x1  }
0x114: {  	v1 =	vpop (erf)  }
0x115: {  	v0 =	vadd.f32 v1, v0;
	_ =	sdelay $0x1  }
0x116: {  	v1 =	vpop (erf)  }
0x117: {  	v0 =	vadd.f32 v1, v0;
	_ =	sdelay $0x2  }
0x118: {  	v1 =	vpop (erf)  }
0x119: {  	v0 =	vadd.f32 v1, v0;
	_ =	sdelay $0x1  }
0x11a: {  	v0 =	vmul.f32 $7.812500000e-03, v0  }
0x11b: {  	s20 =	sand.u32 $0x380, s20  }
0x11c: {  	s20 =	sor.u32 s20, s21;
	[tilespmem:s17+$0xFFFFFF80] =	vst v0  }
0x11d: {  	v0 =	vld [tilespmem:s20+$0x30]  }
0x11e: {  	v1 =	vld [tilespmem:s20+$0x10]  }
0x11f: {  	v2 =	vld [tilespmem:$0x6030]  }
0x120: {  	v3 =	vld [tilespmem:$0x6010]  }
0x121: {  	v4 =	vld [tilespmem:s20+$0x20]  }
0x122: {  	v5 =	vld [tilespmem:s20+$0x0];
	v0 =	vmul.f32 $1.000000000e+01, v0  }
0x123: {  	v1 =	vmul.f32 $1.000000000e+01, v1;
	v6 =	vld [tilespmem:$0x6020]  }
0x124: {  	v7 =	vld [tilespmem:$0x6000];
	v0 =	vsub.f32 v2, v0  }
0x125: {  	v1 =	vsub.f32 v3, v1  }
0x126: {  	v2 =	vmul.f32 $1.000000000e+01, v4;
	v0 =	vmin.f32 v0, $8.000000000e+01  }
0x127: {  	v3 =	vmul.f32 $1.000000000e+01, v5;
	v1 =	vmin.f32 v1, $8.000000000e+01;
	v0 =	vmul.f32 $1.442695020e+00, v0  }
0x128: {  	v1 =	vmul.f32 $1.442695020e+00, v1;
	v2 =	vsub.f32 v6, v2  }
0x129: {  	v3 =	vsub.f32 v7, v3  }
0x12a: {  	v2 =	vmin.f32 v2, $8.000000000e+01;
	v4 =	vld [tilespmem:s20+$0x40];
	(erf) = vpow2.f32 v0  }
0x12b: {  	v0 =	vmin.f32 v3, $8.000000000e+01;
	v2 =	vmul.f32 $1.442695020e+00, v2;
	v3 =	vld [tilespmem:s20+$0x50];
	(erf) = vpow2.f32 v1  }
0x12c: {  	v0 =	vmul.f32 $1.442695020e+00, v0;
	v1 =	vld [tilespmem:$0x6040]  }
0x12d: {  	v5 =	vld [tilespmem:$0x6050];
	(erf) = vpow2.f32 v2  }
0x12e: {  	v2 =	vld [tilespmem:s20+$0x60];
	(erf) = vpow2.f32 v0  }
0x12f: {  	v0 =	vmul.f32 $1.000000000e+01, v4  }
0x130: {  	v3 =	vmul.f32 $1.000000000e+01, v3;
	v4 =	vld [tilespmem:$0x6060]  }
0x131: {  	v0 =	vsub.f32 v1, v0;
	v1 =	vld [tilespmem:s20+$0x70]  }
0x132: {  	v3 =	vsub.f32 v5, v3;
	v5 =	vld [tilespmem:s20+$0x400]  }
0x133: {  	v0 =	vmin.f32 v0, $8.000000000e+01;
	v2 =	vmul.f32 $1.000000000e+01, v2;
	v6 =	vld [tilespmem:$0x6070];
	v7 =	vpop (erf)  }
0x134: {  	v7 =	vadd.f32 $1.000000000e+00, v7;
	v0 =	vmul.f32 $1.442695020e+00, v0;
	v3 =	vmin.f32 v3, $8.000000000e+01;
	v8 =	vpop (erf)  }
0x135: {  	v8 =	vadd.f32 $1.000000000e+00, v8;
	v3 =	vmul.f32 $1.442695020e+00, v3;
	v2 =	vsub.f32 v4, v2;
	v4 =	vld [tilespmem:$0x6080]  }
0x136: {  	v1 =	vmul.f32 $1.000000000e+01, v1;
	v9 =	vld [tilespmem:s20+$0x410];
	v10 =	vpop (erf);
	(erf) = vpow2.f32 v0  }
0x137: {  	v0 =	vadd.f32 $1.000000000e+00, v10;
	v2 =	vmin.f32 v2, $8.000000000e+01;
	v10 =	vld [tilespmem:s20+$0x420];
	v11 =	vpop (erf);
	(erf) = vrcp.f32 v8  }
0x138: {  	v5 =	vmul.f32 $1.000000000e+01, v5;
	v8 =	vadd.f32 $1.000000000e+00, v11;
	v11 =	vld [tilespmem:$0x6090];
	(erf) = vpow2.f32 v3  }
0x139: {  	v2 =	vmul.f32 $1.442695020e+00, v2;
	v1 =	vsub.f32 v6, v1;
	v3 =	vld [tilespmem:$0x60A0]  }
0x13a: {  	v4 =	vsub.f32 v4, v5;
	(erf) = vrcp.f32 v8  }
0x13b: {  	v1 =	vmin.f32 v1, $8.000000000e+01;
	v5 =	vmul.f32 $1.000000000e+01, v9;
	v6 =	vld [tilespmem:s20+$0x430];
	(erf) = vpow2.f32 v2  }
0x13c: {  	v1 =	vmul.f32 $1.442695020e+00, v1;
	v2 =	vmin.f32 v4, $8.000000000e+01;
	v4 =	vmul.f32 $1.000000000e+01, v10;
	v8 =	vld [tilespmem:s20+$0x440]  }
0x13d: {  	v2 =	vmul.f32 $1.442695020e+00, v2;
	v10 =	vsub.f32 v11, v5;
	v9 =	vld [tilespmem:$0x60B0];
	(erf) = vrcp.f32 v0  }
0x13e: {  	v0 =	vsub.f32 v3, v4;
	v3 =	vld [tilespmem:$0x60C0];
	(erf) = vpow2.f32 v1  }
0x13f: {  	v1 =	vmin.f32 v10, $8.000000000e+01;
	v4 =	vld [tilespmem:s20+$0x450];
	v5 =	vpop (erf);
	(erf) = vpow2.f32 v2  }
0x140: {  	v2 =	vadd.f32 $1.000000000e+00, v5;
	v5 =	vmul.f32 $1.000000000e+01, v6;
	v6 =	vpop (erf);
	(erf) = vrcp.f32 v7  }
0x141: {  	v1 =	vmul.f32 $1.442695020e+00, v1;
	v0 =	vmin.f32 v0, $8.000000000e+01;
	v7 =	vmul.f32 $1.000000000e+01, v8;
	v8 =	vld [tilespmem:s20+$0x460];
	v10 =	vpop (erf)  }
0x142: {  	v10 =	vadd.f32 $1.000000000e+00, v10;
	v11 =	vsub.f32 v9, v5;
	v9 =	vld [tilespmem:$0x60D0];
	(erf) = vrcp.f32 v2  }
0x143: {  	v0 =	vmul.f32 $1.442695020e+00, v0;
	v2 =	vsub.f32 v3, v7;
	v3 =	vpop (erf);
	(erf) = vpow2.f32 v1  }
0x144: {  	v1 =	vadd.f32 $0.0e+00, v3;
	v3 =	vmin.f32 v11, $8.000000000e+01;
	(erf) = vrcp.f32 v10;
	v5 =	vpop (erf)  }
0x145: {  	v10 =	vadd.f32 $1.000000000e+00, v5;
	v3 =	vmul.f32 $1.442695020e+00, v3;
	(erf) = vpow2.f32 v0  }
0x146: {  	v0 =	vadd.f32 v6, v1;
	v1 =	vmin.f32 v2, $8.000000000e+01;
	v2 =	vmul.f32 $1.000000000e+01, v4;
	v4 =	vld [tilespmem:$0x60E0];
	v6 =	vpop (erf)  }
0x147: {  	v1 =	vmul.f32 $1.442695020e+00, v1;
	v7 =	vld [tilespmem:s20+$0x470];
	(erf) = vrcp.f32 v10;
	v5 =	vpop (erf)  }
0x148: {  	v10 =	vmul.f32 $1.000000000e+01, v8;
	v0 =	vadd.f32 v6, v0;
	v8 =	vpop (erf);
	(erf) = vpow2.f32 v3  }
0x149: {  	v11 =	vadd.f32 $1.000000000e+00, v5;
	v5 =	vadd.f32 $1.000000000e+00, v8;
	v8 =	vpop (erf);
	(erf) = vpow2.f32 v1  }
0x14a: {  	v1 =	vsub.f32 v9, v2;
	v0 =	vadd.f32 v8, v0  }
0x14b: {  	v2 =	vsub.f32 v4, v10;
	v4 =	vld [tilespmem:$0x60F0];
	v6 =	vpop (erf);
	(erf) = vrcp.f32 v5  }
0x14c: {  	v1 =	vmin.f32 v1, $8.000000000e+01;
	v0 =	vadd.f32 v6, v0;
	(erf) = vrcp.f32 v11;
	v3 =	vpop (erf)  }
0x14d: {  	v1 =	vmul.f32 $1.442695020e+00, v1;
	v3 =	vadd.f32 $1.000000000e+00, v3;
	v2 =	vmin.f32 v2, $8.000000000e+01;
	v5 =	vpop (erf)  }
0x14e: {  	v8 =	vadd.f32 v5, v0;
	v2 =	vmul.f32 $1.442695020e+00, v2;
	v5 =	vmul.f32 $1.000000000e+01, v7;
	v6 =	vpop (erf)  }
0x14f: {  	v6 =	vadd.f32 $1.000000000e+00, v6;
	(erf) = vrcp.f32 v3  }
0x150: {  	v3 =	vsub.f32 v4, v5;
	v4 =	vpop (erf);
	(erf) = vpow2.f32 v2  }
0x151: {  	v2 =	vadd.f32 v4, v8;
	v0 =	vpop (erf);
	(erf) = vpow2.f32 v1  }
.Ltmp0:
0x152: {  	v7 =	vadd.f32 $1.000000000e+00, v0;
	v5 =	vmin.f32 v3, $8.000000000e+01;
	(erf) = vrcp.f32 v6;
	v1 =	vpop (erf);
	(pc) =	sbr.rel @p0 .LBB2_3-.Ltmp0, $4  }
0x153: {  	v1 =	vadd.f32 $1.000000000e+00, v1;
	v3 =	vmul.f32 $1.442695020e+00, v5  }
0x154: {  	v0 =	vpop (erf);
	(erf) = vrcp.f32 v7  }
0x155: {  	v4 =	vpop (erf);
	(erf) = vpow2.f32 v3  }
0x156: {  	v2 =	vadd.f32 v4, v2  }
0x157: {  	_ = 	snop  }
0x158: {  	v3 =	vpop (erf)  }
0x159: {  	v4 =	vpop (erf)  }
0x15a: {  	v4 =	vadd.f32 $1.000000000e+00, v4;
	v5 =	vpop (erf)  }
0x15b: {  	(erf) = vrcp.f32 v1;
	v5 =	vadd.f32 $1.000000000e+00, v5  }
0x15c: {  	v56 =	vpop (erf);
	(erf) = vrcp.f32 v4  }
0x15d: {  	v0 =	vadd.f32 v0, v2;
	v57 =	vpop (erf);
	(erf) = vrcp.f32 v5  }
0x15e: {  	v58 =	vpop (erf)  }
0x15f: {  	v0 =	vadd.f32 v3, v0;
	v59 =	vadd.f32 $1.000000000e+00, v58;
	_ =	sdelay $0x1  }
0x160: {  	v0 =	vadd.f32 v56, v0;
	(erf) = vrcp.f32 v59;
	_ =	sdelay $0x1  }
0x161: {  	v0 =	vadd.f32 v57, v0  }
0x162: {  	v60 =	vpop (erf)  }
0x163: {  	v0 =	vadd.f32 v60, v0;
	v61 =	vpop (erf)  }
0x164: {  	v62 =	vpop (erf)  }
0x165: {  	v0 =	vadd.f32 v62, v0;
	_ =	sdelay $0x1  }
0x166: {  	v0 =	vadd.f32 v61, v0  }
0x167: {  	v63 =	vpop (erf)  }
0x168: {  	v0 =	vadd.f32 v63, v0;
	_ =	sdelay $0x1  }
0x169: {  	s14 =	sadd.s32 $0x1, s14;
	v0 =	vmul.f32 $7.812500000e-03, v0  }
0x16a: {  	s15 =	sshll.u32 s15, $0x4;
	p0 =	sne.s32 s14, $0x10  }
.Ltmp1:
0x16b: {  	s15 =	sadd.s32 s4, s15;
	[tilespmem:s18+$0x0] =	vst v0;
	(pc) =	sbr.rel @p0 .LBB2_2-.Ltmp1, $4  }
0x16c: {  	[hbm4b:s15+s3] =	stream.linear.scatter [tilespmem:s12], [sflag:$0x1], $0x2000, $0x38;
	[tilespmem:$0x6100] =	vst v63  }
0x16d: {  	_ =	swait.ge [sflag:s11], $0x2000  }
0x16e: {  	[sflag:s11] =	ssyncset.done $0x0  }
0x16f: {  	[sflag:s11] =	ssyncadd.s32 $0xFFFFE000  }
0x170: {  	s13 =	sadd.s32 $0x1, s13  }
0x171: {  	p0 =	sne.s32 s13, s7  }
.Ltmp2:
0x172: {  	_ = 	snop;
	(pc) =	sbr.rel @p0 .LBB2_1-.Ltmp2, $1  }
0x173: {  	_ =	sdelay $0x3  }
0x174: {  	_ =	sfence.sel $0x180000  }
0x175: {  	[bflag:$0x0] =	sbarrier.arrive $0xFFFF  }
0x176: {  	p0 =	sne.s32 s1, $0x0;
	_ =	strace $0x90000047  }
0x177: {  	s0 =	sadd.s32 @!p0 $0x100000, s0;
	[bflag:$0x2] =	sbarrier.arrive $0xFFFF  }
0x178: {  	[sflag:s0] =	ssyncadd.tile.s32 @!p0 $0x1;
	_ =	shalt  }
.Lfunc_end2:
_tile_overlayer_lowered:
.L_overlay_start_2:
0x179: {  	(tag) =	ssettag $0x2  }
0x17a: {  	s0 =	rddreg [dreg:$0x0];
	s2 =	stileid.u32  }
0x17b: {  	s1 =	rddreg [dreg:$0x1];
	p0 =	sne.s32 s2, $0x0  }
0x17c: {  	s3 =	rddreg [dreg:$0x2];
	[bflag:$0x3] =	sbarrier.arrive $0xFFFF;
	s2 =	simm.s32 @!p0 $0x1C01  }
0x17d: {  	[timem:s3], [sflag:s2] =	dma.local @!p0 [hbm:s0], s1  }
0x17e: {  	s0 =	simm.s32 @!p0 $0x1  }
0x17f: {  	_ =	swait.ge @!p0 [sflag:s0], s1  }
0x180: {  	s1 =	ssub.s32 @!p0 $0x0, s1;
	[sflag:s0] =	ssyncset.done @!p0 $0x0  }
0x181: {  	[sflag:s0] =	ssyncadd.s32 @!p0 s1  }
0x182: {  	[bflag:$0x3] =	sbarrier.arrive $0xFFFF  }
0x183: {  	_ =	shalt  }

</sc_bundles>
